<compile_context>
chip_gen: v7x
topology: tpu7x:2x2x1
jax: 0.10.2.dev20260603
libtpu: 0.0.44.dev20260713+nightly
codegen_flags: <defaults>
</compile_context>

<pallas_src>
import math

import jax
import jax.numpy as jnp
from jax import lax
from jax.experimental import pallas as pl
from jax.experimental.pallas import tpu as pltpu
from jax.experimental.pallas import tpu_sc as plsc

D_MODEL = 128
SCALE = math.sqrt(D_MODEL)

NUM_CORES = 2
NUM_SUBCORES = 16
NW = NUM_CORES * NUM_SUBCORES

B_TOTAL = 4096 * 50
B_PER_W = B_TOTAL // NW
CHUNK = 128
N_CHUNKS = B_PER_W // CHUNK
NBUF = 2


def _emb_kernel(x_hbm, table_hbm, out_hbm,
                idx_v, gb0, gb1, ob0, ob1, gs0, gs1, os0, os1):
    gb = (gb0, gb1)
    ob = (ob0, ob1)
    gs = (gs0, gs1)
    osm = (os0, os1)

    wid = lax.axis_index("s") * NUM_CORES + lax.axis_index("c")

    pltpu.sync_copy(x_hbm.at[wid], idx_v)

    def g_desc(j, b):
        return pltpu.make_async_copy(table_hbm.at[idx_v.at[j]], gb[b], gs[b])

    def o_desc(j, b):
        return pltpu.make_async_copy(ob[b], out_hbm.at[wid * N_CHUNKS + j], osm[b])

    g_desc(0, 0).start()
    g_desc(1, 1).start()

    def step(j, b):
        g_desc(j, b).wait()

        @pl.when(j >= NBUF)
        def _():
            o_desc(j - NBUF, b).wait()

        @plsc.parallel_loop(0, CHUNK, unroll=4)
        def _(r):
            for c in range(D_MODEL // 16):
                ob[b][r, pl.ds(c * 16, 16)] = gb[b][r, pl.ds(c * 16, 16)] * SCALE

        @pl.when(j + NBUF < N_CHUNKS)
        def _():
            g_desc(j + NBUF, b).start()

        o_desc(j, b).start()

    @pl.loop(0, N_CHUNKS, step=NBUF)
    def _(j):
        for b in range(NBUF):
            step(j + b, b)

    o_desc(N_CHUNKS - NBUF, 0).wait()
    o_desc(N_CHUNKS - 1, 1).wait()


def kernel(x, emb_table):
    b_dim, s_dim = x.shape
    x_g = x.astype(jnp.int32).T.reshape(NW, N_CHUNKS, CHUNK)

    mesh = plsc.VectorSubcoreMesh(core_axis_name="c", subcore_axis_name="s")
    out = pl.kernel(
        _emb_kernel,
        out_type=jax.ShapeDtypeStruct((NW * N_CHUNKS, CHUNK, D_MODEL), jnp.float32),
        mesh=mesh,
        scratch_types=[
            pltpu.VMEM((N_CHUNKS, CHUNK), jnp.int32),
            pltpu.VMEM((CHUNK, D_MODEL), jnp.float32),
            pltpu.VMEM((CHUNK, D_MODEL), jnp.float32),
            pltpu.VMEM((CHUNK, D_MODEL), jnp.float32),
            pltpu.VMEM((CHUNK, D_MODEL), jnp.float32),
            pltpu.SemaphoreType.DMA,
            pltpu.SemaphoreType.DMA,
            pltpu.SemaphoreType.DMA,
            pltpu.SemaphoreType.DMA,
        ],
    )(x_g, emb_table)

    return out.reshape(s_dim, b_dim, D_MODEL).transpose(1, 0, 2)

# --- scband reference (transcript-rebuilt; emitter-appended) ---
"""Pipeline reference for scband-normalized-embedding-2035814498829 (READ-ONLY COPY).

The authoritative reference and input builder live on the scoring server;
editing this copy changes nothing except your own understanding.
"""

import math
import jax, jax.numpy as jnp
import numpy as np

D_MODEL = 128
VOCAB = 1000000

def setup_inputs(seed: int = 0) -> dict:
    key = jax.random.key(seed)
    k_idx, k_emb = jax.random.split(key)
    x = jax.random.randint(k_idx, (4096, 50), 0, VOCAB, dtype=jnp.int64 if jax.config.jax_enable_x64 else jnp.int32)
    emb_table = jax.random.normal(k_emb, (VOCAB, D_MODEL), dtype=jnp.float32)
    # blank_id=0 acts as padding_idx: zero out row 0
    emb_table = emb_table.at[0].set(0.0)
    return {"x": x, "emb_table": emb_table}

def reference(x, emb_table):
    # NormalizedEmbedding.forward: emb(x) * sqrt(d_model)
    out = jnp.take(emb_table, x, axis=0)
    return out * math.sqrt(D_MODEL)

if __name__ == "__main__":
    import jax
    _d = setup_inputs()
    print(jax.jit(kernel)(*tuple(_d.values())))

</pallas_src>

<mosaic_0001>
#map = affine_map<(d0, d1) -> (0, 0, 0)>
#map1 = affine_map<(d0, d1) -> (0, 0)>
module attributes {stable_mosaic.version = 14 : i64} {
  func.func @_emb_kernel(%arg0: i32, %arg1: i32, %arg2: memref<32x50x128xi32, #tpu.memory_space<hbm>>, %arg3: memref<1000000x128xf32, #tpu.memory_space<hbm>>, %arg4: memref<1600x128x128xf32, #tpu.memory_space<hbm>>, %arg5: memref<50x128xi32, #tpu.memory_space<vmem>>, %arg6: memref<128x128xf32, #tpu.memory_space<vmem>>, %arg7: memref<128x128xf32, #tpu.memory_space<vmem>>, %arg8: memref<128x128xf32, #tpu.memory_space<vmem>>, %arg9: memref<128x128xf32, #tpu.memory_space<vmem>>, %arg10: memref<!tpu.dma_semaphore, #tpu.memory_space<semaphore_mem>>, %arg11: memref<!tpu.dma_semaphore, #tpu.memory_space<semaphore_mem>>, %arg12: memref<!tpu.dma_semaphore, #tpu.memory_space<semaphore_mem>>, %arg13: memref<!tpu.dma_semaphore, #tpu.memory_space<semaphore_mem>>) attributes {dimension_semantics = [#tpu.dimension_semantics<core_parallel>, #tpu.dimension_semantics<subcore_parallel>], iteration_bounds = array<i64: 2, 16>, scalar_prefetch = 0 : i64, scratch_operands = 9 : i64, tpu.core_type = #tpu.core_type<sc_vector_subcore>, window_params = [{transform_indices = #map}, {transform_indices = #map1}, {transform_indices = #map}]} {
    %mul3A = arith.constant 2 : i32
    %mul3A_0 = arith.muli %arg1, %mul3A : i32
    %add3A = arith.addi %mul3A_0, %arg0 : i32
    "tpu.region"() ({
      %run_scoped3A = tpu.sem_alloc : memref<!tpu.dma_semaphore, #tpu.memory_space<semaphore_mem>>
      %dma_start3A_41 = arith.constant 0 : i32
      %dma_start3A_42 = arith.constant 0 : i32
      %dma_start3A_43 = tpu.memref_slice %arg2[%add3A, %dma_start3A_41, %dma_start3A_42] : memref<32x50x128xi32, #tpu.memory_space<hbm>> -> memref<1x50x128xi32, #tpu.memory_space<hbm>>
      %dma_start3A_44 = tpu.memref_squeeze %dma_start3A_43 : memref<1x50x128xi32, #tpu.memory_space<hbm>> -> memref<50x128xi32, #tpu.memory_space<hbm>>
      %dma_start3A_45 = arith.constant 0 : i32
      %dma_start3A_46 = arith.constant 0 : i32
      %dma_start3A_47 = tpu.memref_slice %arg2[%add3A, %dma_start3A_45, %dma_start3A_46] : memref<32x50x128xi32, #tpu.memory_space<hbm>> -> memref<1x50x128xi32, #tpu.memory_space<hbm>>
      %dma_start3A_48 = tpu.memref_squeeze %dma_start3A_47 : memref<1x50x128xi32, #tpu.memory_space<hbm>> -> memref<50x128xi32, #tpu.memory_space<hbm>>
      tpu.enqueue_dma source(%dma_start3A_48 : memref<50x128xi32, #tpu.memory_space<hbm>>) target(%arg5 : memref<50x128xi32, #tpu.memory_space<vmem>>) target_semaphore(%run_scoped3A : memref<!tpu.dma_semaphore, #tpu.memory_space<semaphore_mem>>)
      %dma_wait3A_49 = arith.constant 0 : i32
      %dma_wait3A_50 = arith.constant 0 : i32
      %dma_wait3A_51 = tpu.memref_slice %arg2[%add3A, %dma_wait3A_49, %dma_wait3A_50] : memref<32x50x128xi32, #tpu.memory_space<hbm>> -> memref<1x50x128xi32, #tpu.memory_space<hbm>>
      %dma_wait3A_52 = tpu.memref_squeeze %dma_wait3A_51 : memref<1x50x128xi32, #tpu.memory_space<hbm>> -> memref<50x128xi32, #tpu.memory_space<hbm>>
      %dma_wait3A_53 = arith.constant 0 : i32
      %dma_wait3A_54 = arith.constant 0 : i32
      %dma_wait3A_55 = tpu.memref_slice %arg2[%add3A, %dma_wait3A_53, %dma_wait3A_54] : memref<32x50x128xi32, #tpu.memory_space<hbm>> -> memref<1x50x128xi32, #tpu.memory_space<hbm>>
      %dma_wait3A_56 = tpu.memref_squeeze %dma_wait3A_55 : memref<1x50x128xi32, #tpu.memory_space<hbm>> -> memref<50x128xi32, #tpu.memory_space<hbm>>
      tpu.wait_dma2 semaphore(%run_scoped3A : memref<!tpu.dma_semaphore, #tpu.memory_space<semaphore_mem>>) src(%dma_wait3A_56 : memref<50x128xi32, #tpu.memory_space<hbm>>) dst(%arg5 : memref<50x128xi32, #tpu.memory_space<vmem>>)
      tpu.yield
    }) : () -> ()
    %dma_start3A = arith.constant 0 : i32
    %dma_start3A_1 = arith.constant 0 : i32
    %dma_start3A_2 = tpu.memref_slice %arg5[%dma_start3A, %dma_start3A_1] : memref<50x128xi32, #tpu.memory_space<vmem>> -> memref<1x128xi32, #tpu.memory_space<vmem>>
    %dma_start3A_3 = tpu.memref_squeeze %dma_start3A_2 : memref<1x128xi32, #tpu.memory_space<vmem>> -> memref<128xi32, #tpu.memory_space<vmem>>
    %dma_start3A_4 = arith.constant 0 : i32
    %dma_start3A_5 = arith.constant 0 : i32
    %dma_start3A_6 = tpu.memref_slice %arg3[%dma_start3A_4, %dma_start3A_5] : memref<1000000x128xf32, #tpu.memory_space<hbm>> -> memref<1000000x128xf32, #tpu.memory_space<hbm>>
    tpu.enqueue_indirect_dma source(%dma_start3A_6 : memref<1000000x128xf32, #tpu.memory_space<hbm>>) target(%arg6 : memref<128x128xf32, #tpu.memory_space<vmem>>) offsets(%dma_start3A_3 : memref<128xi32, #tpu.memory_space<vmem>>) semaphore(%arg10 : memref<!tpu.dma_semaphore, #tpu.memory_space<semaphore_mem>>)
    %dma_start3A_7 = arith.constant 1 : i32
    %dma_start3A_8 = arith.constant 0 : i32
    %dma_start3A_9 = tpu.memref_slice %arg5[%dma_start3A_7, %dma_start3A_8] : memref<50x128xi32, #tpu.memory_space<vmem>> -> memref<1x128xi32, #tpu.memory_space<vmem>>
    %dma_start3A_10 = tpu.memref_squeeze %dma_start3A_9 : memref<1x128xi32, #tpu.memory_space<vmem>> -> memref<128xi32, #tpu.memory_space<vmem>>
    %dma_start3A_11 = arith.constant 0 : i32
    %dma_start3A_12 = arith.constant 0 : i32
    %dma_start3A_13 = tpu.memref_slice %arg3[%dma_start3A_11, %dma_start3A_12] : memref<1000000x128xf32, #tpu.memory_space<hbm>> -> memref<1000000x128xf32, #tpu.memory_space<hbm>>
    tpu.enqueue_indirect_dma source(%dma_start3A_13 : memref<1000000x128xf32, #tpu.memory_space<hbm>>) target(%arg7 : memref<128x128xf32, #tpu.memory_space<vmem>>) offsets(%dma_start3A_10 : memref<128xi32, #tpu.memory_space<vmem>>) semaphore(%arg11 : memref<!tpu.dma_semaphore, #tpu.memory_space<semaphore_mem>>)
    %scan3A = arith.constant 0 : i32
    %scan3A_14 = arith.constant 25 : i32
    %scan3A_15 = arith.addi %scan3A, %scan3A_14 : i32
    %scan3A_16 = arith.constant 1 : i32
    scf.for %scan3A_41 = %scan3A to %scan3A_15 step %scan3A_16  : i32 {
      %mul3A_42 = arith.constant 2 : i32
      %mul3A_43 = arith.muli %scan3A_41, %mul3A_42 : i32
      %add3A_44 = arith.constant 0 : i32
      %add3A_45 = arith.addi %add3A_44, %mul3A_43 : i32
      %add3A_46 = arith.constant 0 : i32
      %add3A_47 = arith.addi %add3A_45, %add3A_46 : i32
      %dma_wait3A_48 = arith.constant 0 : i32
      %dma_wait3A_49 = tpu.memref_slice %arg5[%add3A_47, %dma_wait3A_48] : memref<50x128xi32, #tpu.memory_space<vmem>> -> memref<1x128xi32, #tpu.memory_space<vmem>>
      %dma_wait3A_50 = tpu.memref_squeeze %dma_wait3A_49 : memref<1x128xi32, #tpu.memory_space<vmem>> -> memref<128xi32, #tpu.memory_space<vmem>>
      %dma_wait3A_51 = arith.constant 0 : i32
      %dma_wait3A_52 = arith.constant 0 : i32
      %dma_wait3A_53 = tpu.memref_slice %arg3[%dma_wait3A_51, %dma_wait3A_52] : memref<1000000x128xf32, #tpu.memory_space<hbm>> -> memref<1000000x128xf32, #tpu.memory_space<hbm>>
      tpu.wait_indirect_dma semaphore(%arg10 : memref<!tpu.dma_semaphore, #tpu.memory_space<semaphore_mem>>) src(%dma_wait3A_53 : memref<1000000x128xf32, #tpu.memory_space<hbm>>) dst(%arg6 : memref<128x128xf32, #tpu.memory_space<vmem>>)
      %ge3A = arith.constant 2 : i32
      %ge3A_54 = arith.cmpi sge, %add3A_47, %ge3A : i32
      %convert_element_type3A = arith.extui %ge3A_54 : i1 to i32
      %cond3A = arith.constant 0 : i32
      %cond3A_55 = arith.cmpi ne, %convert_element_type3A, %cond3A : i32
      scf.if %cond3A_55 {
        %sub3A = arith.constant 2 : i32
        %sub3A_109 = arith.subi %add3A_47, %sub3A : i32
        %mul3A_110 = arith.constant 50 : i32
        %mul3A_111 = arith.muli %add3A, %mul3A_110 : i32
        %add3A_112 = arith.addi %mul3A_111, %sub3A_109 : i32
        %dma_wait3A_113 = arith.constant 0 : i32
        %dma_wait3A_114 = arith.constant 0 : i32
        %dma_wait3A_115 = tpu.memref_slice %arg4[%add3A_112, %dma_wait3A_113, %dma_wait3A_114] : memref<1600x128x128xf32, #tpu.memory_space<hbm>> -> memref<1x128x128xf32, #tpu.memory_space<hbm>>
        %dma_wait3A_116 = tpu.memref_squeeze %dma_wait3A_115 : memref<1x128x128xf32, #tpu.memory_space<hbm>> -> memref<128x128xf32, #tpu.memory_space<hbm>>
        %dma_wait3A_117 = arith.constant 0 : i32
        %dma_wait3A_118 = arith.constant 0 : i32
        %dma_wait3A_119 = tpu.memref_slice %arg4[%add3A_112, %dma_wait3A_117, %dma_wait3A_118] : memref<1600x128x128xf32, #tpu.memory_space<hbm>> -> memref<1x128x128xf32, #tpu.memory_space<hbm>>
        %dma_wait3A_120 = tpu.memref_squeeze %dma_wait3A_119 : memref<1x128x128xf32, #tpu.memory_space<hbm>> -> memref<128x128xf32, #tpu.memory_space<hbm>>
        tpu.wait_dma2 semaphore(%arg12 : memref<!tpu.dma_semaphore, #tpu.memory_space<semaphore_mem>>) src(%arg8 : memref<128x128xf32, #tpu.memory_space<vmem>>) dst(%dma_wait3A_120 : memref<128x128xf32, #tpu.memory_space<hbm>>)
      } else {
      }
      %parallel_loop3A = arith.constant 0 : i32
      %parallel_loop3A_56 = arith.constant 128 : i32
      %parallel_loop3A_57 = arith.constant 1 : i32
      scf.for %parallel_loop3A_109 = %parallel_loop3A to %parallel_loop3A_56 step %parallel_loop3A_57  : i32 {
        %parallel_loop3A_110 = arith.index_cast %parallel_loop3A_109 : i32 to index
        %parallel_loop3A_111 = arith.constant 0 : index
        %parallel_loop3A_112 = tpu.vector_load %arg6[%parallel_loop3A_110, %parallel_loop3A_111] {strides = array<i32>} : memref<128x128xf32, #tpu.memory_space<vmem>>, vector<1x16xf32>,
        %parallel_loop3A_113 = vector.shape_cast %parallel_loop3A_112 : vector<1x16xf32> to vector<16xf32>
        %parallel_loop3A_114 = arith.constant 11.3137083 : f32
        %parallel_loop3A_115 = vector.broadcast %parallel_loop3A_114 : f32 to vector<16xf32>
        %parallel_loop3A_116 = arith.mulf %parallel_loop3A_113, %parallel_loop3A_115 : vector<16xf32>
        %parallel_loop3A_117 = arith.index_cast %parallel_loop3A_109 : i32 to index
        %parallel_loop3A_118 = arith.constant 0 : index
        %parallel_loop3A_119 = tpu.vector_load %arg8[%parallel_loop3A_117, %parallel_loop3A_118] {strides = array<i32>} : memref<128x128xf32, #tpu.memory_space<vmem>>, vector<1x16xf32>,
        %parallel_loop3A_120 = vector.shape_cast %parallel_loop3A_119 : vector<1x16xf32> to vector<16xf32>
        %parallel_loop3A_121 = vector.shape_cast %parallel_loop3A_116 : vector<16xf32> to vector<1x16xf32>
        tpu.vector_store %arg8[%parallel_loop3A_117, %parallel_loop3A_118], %parallel_loop3A_121 {strides = array<i32>} : memref<128x128xf32, #tpu.memory_space<vmem>>, vector<1x16xf32>,
        %parallel_loop3A_122 = arith.index_cast %parallel_loop3A_109 : i32 to index
        %parallel_loop3A_123 = arith.constant 16 : index
        %parallel_loop3A_124 = tpu.vector_load %arg6[%parallel_loop3A_122, %parallel_loop3A_123] {strides = array<i32>} : memref<128x128xf32, #tpu.memory_space<vmem>>, vector<1x16xf32>,
        %parallel_loop3A_125 = vector.shape_cast %parallel_loop3A_124 : vector<1x16xf32> to vector<16xf32>
        %parallel_loop3A_126 = arith.constant 11.3137083 : f32
        %parallel_loop3A_127 = vector.broadcast %parallel_loop3A_126 : f32 to vector<16xf32>
        %parallel_loop3A_128 = arith.mulf %parallel_loop3A_125, %parallel_loop3A_127 : vector<16xf32>
        %parallel_loop3A_129 = arith.index_cast %parallel_loop3A_109 : i32 to index
        %parallel_loop3A_130 = arith.constant 16 : index
        %parallel_loop3A_131 = tpu.vector_load %arg8[%parallel_loop3A_129, %parallel_loop3A_130] {strides = array<i32>} : memref<128x128xf32, #tpu.memory_space<vmem>>, vector<1x16xf32>,
        %parallel_loop3A_132 = vector.shape_cast %parallel_loop3A_131 : vector<1x16xf32> to vector<16xf32>
        %parallel_loop3A_133 = vector.shape_cast %parallel_loop3A_128 : vector<16xf32> to vector<1x16xf32>
        tpu.vector_store %arg8[%parallel_loop3A_129, %parallel_loop3A_130], %parallel_loop3A_133 {strides = array<i32>} : memref<128x128xf32, #tpu.memory_space<vmem>>, vector<1x16xf32>,
        %parallel_loop3A_134 = arith.index_cast %parallel_loop3A_109 : i32 to index
        %parallel_loop3A_135 = arith.constant 32 : index
        %parallel_loop3A_136 = tpu.vector_load %arg6[%parallel_loop3A_134, %parallel_loop3A_135] {strides = array<i32>} : memref<128x128xf32, #tpu.memory_space<vmem>>, vector<1x16xf32>,
        %parallel_loop3A_137 = vector.shape_cast %parallel_loop3A_136 : vector<1x16xf32> to vector<16xf32>
        %parallel_loop3A_138 = arith.constant 11.3137083 : f32
        %parallel_loop3A_139 = vector.broadcast %parallel_loop3A_138 : f32 to vector<16xf32>
        %parallel_loop3A_140 = arith.mulf %parallel_loop3A_137, %parallel_loop3A_139 : vector<16xf32>
        %parallel_loop3A_141 = arith.index_cast %parallel_loop3A_109 : i32 to index
        %parallel_loop3A_142 = arith.constant 32 : index
        %parallel_loop3A_143 = tpu.vector_load %arg8[%parallel_loop3A_141, %parallel_loop3A_142] {strides = array<i32>} : memref<128x128xf32, #tpu.memory_space<vmem>>, vector<1x16xf32>,
        %parallel_loop3A_144 = vector.shape_cast %parallel_loop3A_143 : vector<1x16xf32> to vector<16xf32>
        %parallel_loop3A_145 = vector.shape_cast %parallel_loop3A_140 : vector<16xf32> to vector<1x16xf32>
        tpu.vector_store %arg8[%parallel_loop3A_141, %parallel_loop3A_142], %parallel_loop3A_145 {strides = array<i32>} : memref<128x128xf32, #tpu.memory_space<vmem>>, vector<1x16xf32>,
        %parallel_loop3A_146 = arith.index_cast %parallel_loop3A_109 : i32 to index
        %parallel_loop3A_147 = arith.constant 48 : index
        %parallel_loop3A_148 = tpu.vector_load %arg6[%parallel_loop3A_146, %parallel_loop3A_147] {strides = array<i32>} : memref<128x128xf32, #tpu.memory_space<vmem>>, vector<1x16xf32>,
        %parallel_loop3A_149 = vector.shape_cast %parallel_loop3A_148 : vector<1x16xf32> to vector<16xf32>
        %parallel_loop3A_150 = arith.constant 11.3137083 : f32
        %parallel_loop3A_151 = vector.broadcast %parallel_loop3A_150 : f32 to vector<16xf32>
        %parallel_loop3A_152 = arith.mulf %parallel_loop3A_149, %parallel_loop3A_151 : vector<16xf32>
        %parallel_loop3A_153 = arith.index_cast %parallel_loop3A_109 : i32 to index
        %parallel_loop3A_154 = arith.constant 48 : index
        %parallel_loop3A_155 = tpu.vector_load %arg8[%parallel_loop3A_153, %parallel_loop3A_154] {strides = array<i32>} : memref<128x128xf32, #tpu.memory_space<vmem>>, vector<1x16xf32>,
        %parallel_loop3A_156 = vector.shape_cast %parallel_loop3A_155 : vector<1x16xf32> to vector<16xf32>
        %parallel_loop3A_157 = vector.shape_cast %parallel_loop3A_152 : vector<16xf32> to vector<1x16xf32>
        tpu.vector_store %arg8[%parallel_loop3A_153, %parallel_loop3A_154], %parallel_loop3A_157 {strides = array<i32>} : memref<128x128xf32, #tpu.memory_space<vmem>>, vector<1x16xf32>,
        %parallel_loop3A_158 = arith.index_cast %parallel_loop3A_109 : i32 to index
        %parallel_loop3A_159 = arith.constant 64 : index
        %parallel_loop3A_160 = tpu.vector_load %arg6[%parallel_loop3A_158, %parallel_loop3A_159] {strides = array<i32>} : memref<128x128xf32, #tpu.memory_space<vmem>>, vector<1x16xf32>,
        %parallel_loop3A_161 = vector.shape_cast %parallel_loop3A_160 : vector<1x16xf32> to vector<16xf32>
        %parallel_loop3A_162 = arith.constant 11.3137083 : f32
        %parallel_loop3A_163 = vector.broadcast %parallel_loop3A_162 : f32 to vector<16xf32>
        %parallel_loop3A_164 = arith.mulf %parallel_loop3A_161, %parallel_loop3A_163 : vector<16xf32>
        %parallel_loop3A_165 = arith.index_cast %parallel_loop3A_109 : i32 to index
        %parallel_loop3A_166 = arith.constant 64 : index
        %parallel_loop3A_167 = tpu.vector_load %arg8[%parallel_loop3A_165, %parallel_loop3A_166] {strides = array<i32>} : memref<128x128xf32, #tpu.memory_space<vmem>>, vector<1x16xf32>,
        %parallel_loop3A_168 = vector.shape_cast %parallel_loop3A_167 : vector<1x16xf32> to vector<16xf32>
        %parallel_loop3A_169 = vector.shape_cast %parallel_loop3A_164 : vector<16xf32> to vector<1x16xf32>
        tpu.vector_store %arg8[%parallel_loop3A_165, %parallel_loop3A_166], %parallel_loop3A_169 {strides = array<i32>} : memref<128x128xf32, #tpu.memory_space<vmem>>, vector<1x16xf32>,
        %parallel_loop3A_170 = arith.index_cast %parallel_loop3A_109 : i32 to index
        %parallel_loop3A_171 = arith.constant 80 : index
        %parallel_loop3A_172 = tpu.vector_load %arg6[%parallel_loop3A_170, %parallel_loop3A_171] {strides = array<i32>} : memref<128x128xf32, #tpu.memory_space<vmem>>, vector<1x16xf32>,
        %parallel_loop3A_173 = vector.shape_cast %parallel_loop3A_172 : vector<1x16xf32> to vector<16xf32>
        %parallel_loop3A_174 = arith.constant 11.3137083 : f32
        %parallel_loop3A_175 = vector.broadcast %parallel_loop3A_174 : f32 to vector<16xf32>
        %parallel_loop3A_176 = arith.mulf %parallel_loop3A_173, %parallel_loop3A_175 : vector<16xf32>
        %parallel_loop3A_177 = arith.index_cast %parallel_loop3A_109 : i32 to index
        %parallel_loop3A_178 = arith.constant 80 : index
        %parallel_loop3A_179 = tpu.vector_load %arg8[%parallel_loop3A_177, %parallel_loop3A_178] {strides = array<i32>} : memref<128x128xf32, #tpu.memory_space<vmem>>, vector<1x16xf32>,
        %parallel_loop3A_180 = vector.shape_cast %parallel_loop3A_179 : vector<1x16xf32> to vector<16xf32>
        %parallel_loop3A_181 = vector.shape_cast %parallel_loop3A_176 : vector<16xf32> to vector<1x16xf32>
        tpu.vector_store %arg8[%parallel_loop3A_177, %parallel_loop3A_178], %parallel_loop3A_181 {strides = array<i32>} : memref<128x128xf32, #tpu.memory_space<vmem>>, vector<1x16xf32>,
        %parallel_loop3A_182 = arith.index_cast %parallel_loop3A_109 : i32 to index
        %parallel_loop3A_183 = arith.constant 96 : index
        %parallel_loop3A_184 = tpu.vector_load %arg6[%parallel_loop3A_182, %parallel_loop3A_183] {strides = array<i32>} : memref<128x128xf32, #tpu.memory_space<vmem>>, vector<1x16xf32>,
        %parallel_loop3A_185 = vector.shape_cast %parallel_loop3A_184 : vector<1x16xf32> to vector<16xf32>
        %parallel_loop3A_186 = arith.constant 11.3137083 : f32
        %parallel_loop3A_187 = vector.broadcast %parallel_loop3A_186 : f32 to vector<16xf32>
        %parallel_loop3A_188 = arith.mulf %parallel_loop3A_185, %parallel_loop3A_187 : vector<16xf32>
        %parallel_loop3A_189 = arith.index_cast %parallel_loop3A_109 : i32 to index
        %parallel_loop3A_190 = arith.constant 96 : index
        %parallel_loop3A_191 = tpu.vector_load %arg8[%parallel_loop3A_189, %parallel_loop3A_190] {strides = array<i32>} : memref<128x128xf32, #tpu.memory_space<vmem>>, vector<1x16xf32>,
        %parallel_loop3A_192 = vector.shape_cast %parallel_loop3A_191 : vector<1x16xf32> to vector<16xf32>
        %parallel_loop3A_193 = vector.shape_cast %parallel_loop3A_188 : vector<16xf32> to vector<1x16xf32>
        tpu.vector_store %arg8[%parallel_loop3A_189, %parallel_loop3A_190], %parallel_loop3A_193 {strides = array<i32>} : memref<128x128xf32, #tpu.memory_space<vmem>>, vector<1x16xf32>,
        %parallel_loop3A_194 = arith.index_cast %parallel_loop3A_109 : i32 to index
        %parallel_loop3A_195 = arith.constant 112 : index
        %parallel_loop3A_196 = tpu.vector_load %arg6[%parallel_loop3A_194, %parallel_loop3A_195] {strides = array<i32>} : memref<128x128xf32, #tpu.memory_space<vmem>>, vector<1x16xf32>,
        %parallel_loop3A_197 = vector.shape_cast %parallel_loop3A_196 : vector<1x16xf32> to vector<16xf32>
        %parallel_loop3A_198 = arith.constant 11.3137083 : f32
        %parallel_loop3A_199 = vector.broadcast %parallel_loop3A_198 : f32 to vector<16xf32>
        %parallel_loop3A_200 = arith.mulf %parallel_loop3A_197, %parallel_loop3A_199 : vector<16xf32>
        %parallel_loop3A_201 = arith.index_cast %parallel_loop3A_109 : i32 to index
        %parallel_loop3A_202 = arith.constant 112 : index
        %parallel_loop3A_203 = tpu.vector_load %arg8[%parallel_loop3A_201, %parallel_loop3A_202] {strides = array<i32>} : memref<128x128xf32, #tpu.memory_space<vmem>>, vector<1x16xf32>,
        %parallel_loop3A_204 = vector.shape_cast %parallel_loop3A_203 : vector<1x16xf32> to vector<16xf32>
        %parallel_loop3A_205 = vector.shape_cast %parallel_loop3A_200 : vector<16xf32> to vector<1x16xf32>
        tpu.vector_store %arg8[%parallel_loop3A_201, %parallel_loop3A_202], %parallel_loop3A_205 {strides = array<i32>} : memref<128x128xf32, #tpu.memory_space<vmem>>, vector<1x16xf32>,
      } {sc.loop_unroll_factor = 4 : i64, sc.parallel_access}
      %add3A_58 = arith.constant 2 : i32
      %add3A_59 = arith.addi %add3A_47, %add3A_58 : i32
      %lt3A = arith.constant 50 : i32
      %lt3A_60 = arith.cmpi slt, %add3A_59, %lt3A : i32
      %convert_element_type3A_61 = arith.extui %lt3A_60 : i1 to i32
      %cond3A_62 = arith.constant 0 : i32
      %cond3A_63 = arith.cmpi ne, %convert_element_type3A_61, %cond3A_62 : i32
      scf.if %cond3A_63 {
        %add3A_109 = arith.constant 2 : i32
        %add3A_110 = arith.addi %add3A_47, %add3A_109 : i32
        %dma_start3A_111 = arith.constant 0 : i32
        %dma_start3A_112 = tpu.memref_slice %arg5[%add3A_110, %dma_start3A_111] : memref<50x128xi32, #tpu.memory_space<vmem>> -> memref<1x128xi32, #tpu.memory_space<vmem>>
        %dma_start3A_113 = tpu.memref_squeeze %dma_start3A_112 : memref<1x128xi32, #tpu.memory_space<vmem>> -> memref<128xi32, #tpu.memory_space<vmem>>
        %dma_start3A_114 = arith.constant 0 : i32
        %dma_start3A_115 = arith.constant 0 : i32
        %dma_start3A_116 = tpu.memref_slice %arg3[%dma_start3A_114, %dma_start3A_115] : memref<1000000x128xf32, #tpu.memory_space<hbm>> -> memref<1000000x128xf32, #tpu.memory_space<hbm>>
        tpu.enqueue_indirect_dma source(%dma_start3A_116 : memref<1000000x128xf32, #tpu.memory_space<hbm>>) target(%arg6 : memref<128x128xf32, #tpu.memory_space<vmem>>) offsets(%dma_start3A_113 : memref<128xi32, #tpu.memory_space<vmem>>) semaphore(%arg10 : memref<!tpu.dma_semaphore, #tpu.memory_space<semaphore_mem>>)
      } else {
      }
      %mul3A_64 = arith.constant 50 : i32
      %mul3A_65 = arith.muli %add3A, %mul3A_64 : i32
      %add3A_66 = arith.addi %mul3A_65, %add3A_47 : i32
      %dma_start3A_67 = arith.constant 0 : i32
      %dma_start3A_68 = arith.constant 0 : i32
      %dma_start3A_69 = tpu.memref_slice %arg4[%add3A_66, %dma_start3A_67, %dma_start3A_68] : memref<1600x128x128xf32, #tpu.memory_space<hbm>> -> memref<1x128x128xf32, #tpu.memory_space<hbm>>
      %dma_start3A_70 = tpu.memref_squeeze %dma_start3A_69 : memref<1x128x128xf32, #tpu.memory_space<hbm>> -> memref<128x128xf32, #tpu.memory_space<hbm>>
      %dma_start3A_71 = arith.constant 0 : i32
      %dma_start3A_72 = arith.constant 0 : i32
      %dma_start3A_73 = tpu.memref_slice %arg4[%add3A_66, %dma_start3A_71, %dma_start3A_72] : memref<1600x128x128xf32, #tpu.memory_space<hbm>> -> memref<1x128x128xf32, #tpu.memory_space<hbm>>
      %dma_start3A_74 = tpu.memref_squeeze %dma_start3A_73 : memref<1x128x128xf32, #tpu.memory_space<hbm>> -> memref<128x128xf32, #tpu.memory_space<hbm>>
      tpu.enqueue_dma source(%arg8 : memref<128x128xf32, #tpu.memory_space<vmem>>) target(%dma_start3A_74 : memref<128x128xf32, #tpu.memory_space<hbm>>) target_semaphore(%arg12 : memref<!tpu.dma_semaphore, #tpu.memory_space<semaphore_mem>>)
      %add3A_75 = arith.constant 1 : i32
      %add3A_76 = arith.addi %add3A_45, %add3A_75 : i32
      %dma_wait3A_77 = arith.constant 0 : i32
      %dma_wait3A_78 = tpu.memref_slice %arg5[%add3A_76, %dma_wait3A_77] : memref<50x128xi32, #tpu.memory_space<vmem>> -> memref<1x128xi32, #tpu.memory_space<vmem>>
      %dma_wait3A_79 = tpu.memref_squeeze %dma_wait3A_78 : memref<1x128xi32, #tpu.memory_space<vmem>> -> memref<128xi32, #tpu.memory_space<vmem>>
      %dma_wait3A_80 = arith.constant 0 : i32
      %dma_wait3A_81 = arith.constant 0 : i32
      %dma_wait3A_82 = tpu.memref_slice %arg3[%dma_wait3A_80, %dma_wait3A_81] : memref<1000000x128xf32, #tpu.memory_space<hbm>> -> memref<1000000x128xf32, #tpu.memory_space<hbm>>
      tpu.wait_indirect_dma semaphore(%arg11 : memref<!tpu.dma_semaphore, #tpu.memory_space<semaphore_mem>>) src(%dma_wait3A_82 : memref<1000000x128xf32, #tpu.memory_space<hbm>>) dst(%arg7 : memref<128x128xf32, #tpu.memory_space<vmem>>)
      %ge3A_83 = arith.constant 2 : i32
      %ge3A_84 = arith.cmpi sge, %add3A_76, %ge3A_83 : i32
      %convert_element_type3A_85 = arith.extui %ge3A_84 : i1 to i32
      %cond3A_86 = arith.constant 0 : i32
      %cond3A_87 = arith.cmpi ne, %convert_element_type3A_85, %cond3A_86 : i32
      scf.if %cond3A_87 {
        %sub3A = arith.constant 2 : i32
        %sub3A_109 = arith.subi %add3A_76, %sub3A : i32
        %mul3A_110 = arith.constant 50 : i32
        %mul3A_111 = arith.muli %add3A, %mul3A_110 : i32
        %add3A_112 = arith.addi %mul3A_111, %sub3A_109 : i32
        %dma_wait3A_113 = arith.constant 0 : i32
        %dma_wait3A_114 = arith.constant 0 : i32
        %dma_wait3A_115 = tpu.memref_slice %arg4[%add3A_112, %dma_wait3A_113, %dma_wait3A_114] : memref<1600x128x128xf32, #tpu.memory_space<hbm>> -> memref<1x128x128xf32, #tpu.memory_space<hbm>>
        %dma_wait3A_116 = tpu.memref_squeeze %dma_wait3A_115 : memref<1x128x128xf32, #tpu.memory_space<hbm>> -> memref<128x128xf32, #tpu.memory_space<hbm>>
        %dma_wait3A_117 = arith.constant 0 : i32
        %dma_wait3A_118 = arith.constant 0 : i32
        %dma_wait3A_119 = tpu.memref_slice %arg4[%add3A_112, %dma_wait3A_117, %dma_wait3A_118] : memref<1600x128x128xf32, #tpu.memory_space<hbm>> -> memref<1x128x128xf32, #tpu.memory_space<hbm>>
        %dma_wait3A_120 = tpu.memref_squeeze %dma_wait3A_119 : memref<1x128x128xf32, #tpu.memory_space<hbm>> -> memref<128x128xf32, #tpu.memory_space<hbm>>
        tpu.wait_dma2 semaphore(%arg13 : memref<!tpu.dma_semaphore, #tpu.memory_space<semaphore_mem>>) src(%arg9 : memref<128x128xf32, #tpu.memory_space<vmem>>) dst(%dma_wait3A_120 : memref<128x128xf32, #tpu.memory_space<hbm>>)
      } else {
      }
      %parallel_loop3A_88 = arith.constant 0 : i32
      %parallel_loop3A_89 = arith.constant 128 : i32
      %parallel_loop3A_90 = arith.constant 1 : i32
      scf.for %parallel_loop3A_109 = %parallel_loop3A_88 to %parallel_loop3A_89 step %parallel_loop3A_90  : i32 {
        %parallel_loop3A_110 = arith.index_cast %parallel_loop3A_109 : i32 to index
        %parallel_loop3A_111 = arith.constant 0 : index
        %parallel_loop3A_112 = tpu.vector_load %arg7[%parallel_loop3A_110, %parallel_loop3A_111] {strides = array<i32>} : memref<128x128xf32, #tpu.memory_space<vmem>>, vector<1x16xf32>,
        %parallel_loop3A_113 = vector.shape_cast %parallel_loop3A_112 : vector<1x16xf32> to vector<16xf32>
        %parallel_loop3A_114 = arith.constant 11.3137083 : f32
        %parallel_loop3A_115 = vector.broadcast %parallel_loop3A_114 : f32 to vector<16xf32>
        %parallel_loop3A_116 = arith.mulf %parallel_loop3A_113, %parallel_loop3A_115 : vector<16xf32>
        %parallel_loop3A_117 = arith.index_cast %parallel_loop3A_109 : i32 to index
        %parallel_loop3A_118 = arith.constant 0 : index
        %parallel_loop3A_119 = tpu.vector_load %arg9[%parallel_loop3A_117, %parallel_loop3A_118] {strides = array<i32>} : memref<128x128xf32, #tpu.memory_space<vmem>>, vector<1x16xf32>,
        %parallel_loop3A_120 = vector.shape_cast %parallel_loop3A_119 : vector<1x16xf32> to vector<16xf32>
        %parallel_loop3A_121 = vector.shape_cast %parallel_loop3A_116 : vector<16xf32> to vector<1x16xf32>
        tpu.vector_store %arg9[%parallel_loop3A_117, %parallel_loop3A_118], %parallel_loop3A_121 {strides = array<i32>} : memref<128x128xf32, #tpu.memory_space<vmem>>, vector<1x16xf32>,
        %parallel_loop3A_122 = arith.index_cast %parallel_loop3A_109 : i32 to index
        %parallel_loop3A_123 = arith.constant 16 : index
        %parallel_loop3A_124 = tpu.vector_load %arg7[%parallel_loop3A_122, %parallel_loop3A_123] {strides = array<i32>} : memref<128x128xf32, #tpu.memory_space<vmem>>, vector<1x16xf32>,
        %parallel_loop3A_125 = vector.shape_cast %parallel_loop3A_124 : vector<1x16xf32> to vector<16xf32>
        %parallel_loop3A_126 = arith.constant 11.3137083 : f32
        %parallel_loop3A_127 = vector.broadcast %parallel_loop3A_126 : f32 to vector<16xf32>
        %parallel_loop3A_128 = arith.mulf %parallel_loop3A_125, %parallel_loop3A_127 : vector<16xf32>
        %parallel_loop3A_129 = arith.index_cast %parallel_loop3A_109 : i32 to index
        %parallel_loop3A_130 = arith.constant 16 : index
        %parallel_loop3A_131 = tpu.vector_load %arg9[%parallel_loop3A_129, %parallel_loop3A_130] {strides = array<i32>} : memref<128x128xf32, #tpu.memory_space<vmem>>, vector<1x16xf32>,
        %parallel_loop3A_132 = vector.shape_cast %parallel_loop3A_131 : vector<1x16xf32> to vector<16xf32>
        %parallel_loop3A_133 = vector.shape_cast %parallel_loop3A_128 : vector<16xf32> to vector<1x16xf32>
        tpu.vector_store %arg9[%parallel_loop3A_129, %parallel_loop3A_130], %parallel_loop3A_133 {strides = array<i32>} : memref<128x128xf32, #tpu.memory_space<vmem>>, vector<1x16xf32>,
        %parallel_loop3A_134 = arith.index_cast %parallel_loop3A_109 : i32 to index
        %parallel_loop3A_135 = arith.constant 32 : index
        %parallel_loop3A_136 = tpu.vector_load %arg7[%parallel_loop3A_134, %parallel_loop3A_135] {strides = array<i32>} : memref<128x128xf32, #tpu.memory_space<vmem>>, vector<1x16xf32>,
        %parallel_loop3A_137 = vector.shape_cast %parallel_loop3A_136 : vector<1x16xf32> to vector<16xf32>
        %parallel_loop3A_138 = arith.constant 11.3137083 : f32
        %parallel_loop3A_139 = vector.broadcast %parallel_loop3A_138 : f32 to vector<16xf32>
        %parallel_loop3A_140 = arith.mulf %parallel_loop3A_137, %parallel_loop3A_139 : vector<16xf32>
        %parallel_loop3A_141 = arith.index_cast %parallel_loop3A_109 : i32 to index
        %parallel_loop3A_142 = arith.constant 32 : index
        %parallel_loop3A_143 = tpu.vector_load %arg9[%parallel_loop3A_141, %parallel_loop3A_142] {strides = array<i32>} : memref<128x128xf32, #tpu.memory_space<vmem>>, vector<1x16xf32>,
        %parallel_loop3A_144 = vector.shape_cast %parallel_loop3A_143 : vector<1x16xf32> to vector<16xf32>
        %parallel_loop3A_145 = vector.shape_cast %parallel_loop3A_140 : vector<16xf32> to vector<1x16xf32>
        tpu.vector_store %arg9[%parallel_loop3A_141, %parallel_loop3A_142], %parallel_loop3A_145 {strides = array<i32>} : memref<128x128xf32, #tpu.memory_space<vmem>>, vector<1x16xf32>,
        %parallel_loop3A_146 = arith.index_cast %parallel_loop3A_109 : i32 to index
        %parallel_loop3A_147 = arith.constant 48 : index
        %parallel_loop3A_148 = tpu.vector_load %arg7[%parallel_loop3A_146, %parallel_loop3A_147] {strides = array<i32>} : memref<128x128xf32, #tpu.memory_space<vmem>>, vector<1x16xf32>,
        %parallel_loop3A_149 = vector.shape_cast %parallel_loop3A_148 : vector<1x16xf32> to vector<16xf32>
        %parallel_loop3A_150 = arith.constant 11.3137083 : f32
        %parallel_loop3A_151 = vector.broadcast %parallel_loop3A_150 : f32 to vector<16xf32>
        %parallel_loop3A_152 = arith.mulf %parallel_loop3A_149, %parallel_loop3A_151 : vector<16xf32>
        %parallel_loop3A_153 = arith.index_cast %parallel_loop3A_109 : i32 to index
        %parallel_loop3A_154 = arith.constant 48 : index
        %parallel_loop3A_155 = tpu.vector_load %arg9[%parallel_loop3A_153, %parallel_loop3A_154] {strides = array<i32>} : memref<128x128xf32, #tpu.memory_space<vmem>>, vector<1x16xf32>,
        %parallel_loop3A_156 = vector.shape_cast %parallel_loop3A_155 : vector<1x16xf32> to vector<16xf32>
        %parallel_loop3A_157 = vector.shape_cast %parallel_loop3A_152 : vector<16xf32> to vector<1x16xf32>
        tpu.vector_store %arg9[%parallel_loop3A_153, %parallel_loop3A_154], %parallel_loop3A_157 {strides = array<i32>} : memref<128x128xf32, #tpu.memory_space<vmem>>, vector<1x16xf32>,
        %parallel_loop3A_158 = arith.index_cast %parallel_loop3A_109 : i32 to index
        %parallel_loop3A_159 = arith.constant 64 : index
        %parallel_loop3A_160 = tpu.vector_load %arg7[%parallel_loop3A_158, %parallel_loop3A_159] {strides = array<i32>} : memref<128x128xf32, #tpu.memory_space<vmem>>, vector<1x16xf32>,
        %parallel_loop3A_161 = vector.shape_cast %parallel_loop3A_160 : vector<1x16xf32> to vector<16xf32>
        %parallel_loop3A_162 = arith.constant 11.3137083 : f32
        %parallel_loop3A_163 = vector.broadcast %parallel_loop3A_162 : f32 to vector<16xf32>
        %parallel_loop3A_164 = arith.mulf %parallel_loop3A_161, %parallel_loop3A_163 : vector<16xf32>
        %parallel_loop3A_165 = arith.index_cast %parallel_loop3A_109 : i32 to index
        %parallel_loop3A_166 = arith.constant 64 : index
        %parallel_loop3A_167 = tpu.vector_load %arg9[%parallel_loop3A_165, %parallel_loop3A_166] {strides = array<i32>} : memref<128x128xf32, #tpu.memory_space<vmem>>, vector<1x16xf32>,
        %parallel_loop3A_168 = vector.shape_cast %parallel_loop3A_167 : vector<1x16xf32> to vector<16xf32>
        %parallel_loop3A_169 = vector.shape_cast %parallel_loop3A_164 : vector<16xf32> to vector<1x16xf32>
        tpu.vector_store %arg9[%parallel_loop3A_165, %parallel_loop3A_166], %parallel_loop3A_169 {strides = array<i32>} : memref<128x128xf32, #tpu.memory_space<vmem>>, vector<1x16xf32>,
        %parallel_loop3A_170 = arith.index_cast %parallel_loop3A_109 : i32 to index
        %parallel_loop3A_171 = arith.constant 80 : index
        %parallel_loop3A_172 = tpu.vector_load %arg7[%parallel_loop3A_170, %parallel_loop3A_171] {strides = array<i32>} : memref<128x128xf32, #tpu.memory_space<vmem>>, vector<1x16xf32>,
        %parallel_loop3A_173 = vector.shape_cast %parallel_loop3A_172 : vector<1x16xf32> to vector<16xf32>
        %parallel_loop3A_174 = arith.constant 11.3137083 : f32
        %parallel_loop3A_175 = vector.broadcast %parallel_loop3A_174 : f32 to vector<16xf32>
        %parallel_loop3A_176 = arith.mulf %parallel_loop3A_173, %parallel_loop3A_175 : vector<16xf32>
        %parallel_loop3A_177 = arith.index_cast %parallel_loop3A_109 : i32 to index
        %parallel_loop3A_178 = arith.constant 80 : index
        %parallel_loop3A_179 = tpu.vector_load %arg9[%parallel_loop3A_177, %parallel_loop3A_178] {strides = array<i32>} : memref<128x128xf32, #tpu.memory_space<vmem>>, vector<1x16xf32>,
        %parallel_loop3A_180 = vector.shape_cast %parallel_loop3A_179 : vector<1x16xf32> to vector<16xf32>
        %parallel_loop3A_181 = vector.shape_cast %parallel_loop3A_176 : vector<16xf32> to vector<1x16xf32>
        tpu.vector_store %arg9[%parallel_loop3A_177, %parallel_loop3A_178], %parallel_loop3A_181 {strides = array<i32>} : memref<128x128xf32, #tpu.memory_space<vmem>>, vector<1x16xf32>,
        %parallel_loop3A_182 = arith.index_cast %parallel_loop3A_109 : i32 to index
        %parallel_loop3A_183 = arith.constant 96 : index
        %parallel_loop3A_184 = tpu.vector_load %arg7[%parallel_loop3A_182, %parallel_loop3A_183] {strides = array<i32>} : memref<128x128xf32, #tpu.memory_space<vmem>>, vector<1x16xf32>,
        %parallel_loop3A_185 = vector.shape_cast %parallel_loop3A_184 : vector<1x16xf32> to vector<16xf32>
        %parallel_loop3A_186 = arith.constant 11.3137083 : f32
        %parallel_loop3A_187 = vector.broadcast %parallel_loop3A_186 : f32 to vector<16xf32>
        %parallel_loop3A_188 = arith.mulf %parallel_loop3A_185, %parallel_loop3A_187 : vector<16xf32>
        %parallel_loop3A_189 = arith.index_cast %parallel_loop3A_109 : i32 to index
        %parallel_loop3A_190 = arith.constant 96 : index
        %parallel_loop3A_191 = tpu.vector_load %arg9[%parallel_loop3A_189, %parallel_loop3A_190] {strides = array<i32>} : memref<128x128xf32, #tpu.memory_space<vmem>>, vector<1x16xf32>,
        %parallel_loop3A_192 = vector.shape_cast %parallel_loop3A_191 : vector<1x16xf32> to vector<16xf32>
        %parallel_loop3A_193 = vector.shape_cast %parallel_loop3A_188 : vector<16xf32> to vector<1x16xf32>
        tpu.vector_store %arg9[%parallel_loop3A_189, %parallel_loop3A_190], %parallel_loop3A_193 {strides = array<i32>} : memref<128x128xf32, #tpu.memory_space<vmem>>, vector<1x16xf32>,
        %parallel_loop3A_194 = arith.index_cast %parallel_loop3A_109 : i32 to index
        %parallel_loop3A_195 = arith.constant 112 : index
        %parallel_loop3A_196 = tpu.vector_load %arg7[%parallel_loop3A_194, %parallel_loop3A_195] {strides = array<i32>} : memref<128x128xf32, #tpu.memory_space<vmem>>, vector<1x16xf32>,
        %parallel_loop3A_197 = vector.shape_cast %parallel_loop3A_196 : vector<1x16xf32> to vector<16xf32>
        %parallel_loop3A_198 = arith.constant 11.3137083 : f32
        %parallel_loop3A_199 = vector.broadcast %parallel_loop3A_198 : f32 to vector<16xf32>
        %parallel_loop3A_200 = arith.mulf %parallel_loop3A_197, %parallel_loop3A_199 : vector<16xf32>
        %parallel_loop3A_201 = arith.index_cast %parallel_loop3A_109 : i32 to index
        %parallel_loop3A_202 = arith.constant 112 : index
        %parallel_loop3A_203 = tpu.vector_load %arg9[%parallel_loop3A_201, %parallel_loop3A_202] {strides = array<i32>} : memref<128x128xf32, #tpu.memory_space<vmem>>, vector<1x16xf32>,
        %parallel_loop3A_204 = vector.shape_cast %parallel_loop3A_203 : vector<1x16xf32> to vector<16xf32>
        %parallel_loop3A_205 = vector.shape_cast %parallel_loop3A_200 : vector<16xf32> to vector<1x16xf32>
        tpu.vector_store %arg9[%parallel_loop3A_201, %parallel_loop3A_202], %parallel_loop3A_205 {strides = array<i32>} : memref<128x128xf32, #tpu.memory_space<vmem>>, vector<1x16xf32>,
      } {sc.loop_unroll_factor = 4 : i64, sc.parallel_access}
      %add3A_91 = arith.constant 2 : i32
      %add3A_92 = arith.addi %add3A_76, %add3A_91 : i32
      %lt3A_93 = arith.constant 50 : i32
      %lt3A_94 = arith.cmpi slt, %add3A_92, %lt3A_93 : i32
      %convert_element_type3A_95 = arith.extui %lt3A_94 : i1 to i32
      %cond3A_96 = arith.constant 0 : i32
      %cond3A_97 = arith.cmpi ne, %convert_element_type3A_95, %cond3A_96 : i32
      scf.if %cond3A_97 {
        %add3A_109 = arith.constant 2 : i32
        %add3A_110 = arith.addi %add3A_76, %add3A_109 : i32
        %dma_start3A_111 = arith.constant 0 : i32
        %dma_start3A_112 = tpu.memref_slice %arg5[%add3A_110, %dma_start3A_111] : memref<50x128xi32, #tpu.memory_space<vmem>> -> memref<1x128xi32, #tpu.memory_space<vmem>>
        %dma_start3A_113 = tpu.memref_squeeze %dma_start3A_112 : memref<1x128xi32, #tpu.memory_space<vmem>> -> memref<128xi32, #tpu.memory_space<vmem>>
        %dma_start3A_114 = arith.constant 0 : i32
        %dma_start3A_115 = arith.constant 0 : i32
        %dma_start3A_116 = tpu.memref_slice %arg3[%dma_start3A_114, %dma_start3A_115] : memref<1000000x128xf32, #tpu.memory_space<hbm>> -> memref<1000000x128xf32, #tpu.memory_space<hbm>>
        tpu.enqueue_indirect_dma source(%dma_start3A_116 : memref<1000000x128xf32, #tpu.memory_space<hbm>>) target(%arg7 : memref<128x128xf32, #tpu.memory_space<vmem>>) offsets(%dma_start3A_113 : memref<128xi32, #tpu.memory_space<vmem>>) semaphore(%arg11 : memref<!tpu.dma_semaphore, #tpu.memory_space<semaphore_mem>>)
      } else {
      }
      %mul3A_98 = arith.constant 50 : i32
      %mul3A_99 = arith.muli %add3A, %mul3A_98 : i32
      %add3A_100 = arith.addi %mul3A_99, %add3A_76 : i32
      %dma_start3A_101 = arith.constant 0 : i32
      %dma_start3A_102 = arith.constant 0 : i32
      %dma_start3A_103 = tpu.memref_slice %arg4[%add3A_100, %dma_start3A_101, %dma_start3A_102] : memref<1600x128x128xf32, #tpu.memory_space<hbm>> -> memref<1x128x128xf32, #tpu.memory_space<hbm>>
      %dma_start3A_104 = tpu.memref_squeeze %dma_start3A_103 : memref<1x128x128xf32, #tpu.memory_space<hbm>> -> memref<128x128xf32, #tpu.memory_space<hbm>>
      %dma_start3A_105 = arith.constant 0 : i32
      %dma_start3A_106 = arith.constant 0 : i32
      %dma_start3A_107 = tpu.memref_slice %arg4[%add3A_100, %dma_start3A_105, %dma_start3A_106] : memref<1600x128x128xf32, #tpu.memory_space<hbm>> -> memref<1x128x128xf32, #tpu.memory_space<hbm>>
      %dma_start3A_108 = tpu.memref_squeeze %dma_start3A_107 : memref<1x128x128xf32, #tpu.memory_space<hbm>> -> memref<128x128xf32, #tpu.memory_space<hbm>>
      tpu.enqueue_dma source(%arg9 : memref<128x128xf32, #tpu.memory_space<vmem>>) target(%dma_start3A_108 : memref<128x128xf32, #tpu.memory_space<hbm>>) target_semaphore(%arg13 : memref<!tpu.dma_semaphore, #tpu.memory_space<semaphore_mem>>)
    }
    %scan3A_17 = arith.constant 25 : i32
    %mul3A_18 = arith.constant 50 : i32
    %mul3A_19 = arith.muli %add3A, %mul3A_18 : i32
    %add3A_20 = arith.constant 48 : i32
    %add3A_21 = arith.addi %mul3A_19, %add3A_20 : i32
    %dma_wait3A = arith.constant 0 : i32
    %dma_wait3A_22 = arith.constant 0 : i32
    %dma_wait3A_23 = tpu.memref_slice %arg4[%add3A_21, %dma_wait3A, %dma_wait3A_22] : memref<1600x128x128xf32, #tpu.memory_space<hbm>> -> memref<1x128x128xf32, #tpu.memory_space<hbm>>
    %dma_wait3A_24 = tpu.memref_squeeze %dma_wait3A_23 : memref<1x128x128xf32, #tpu.memory_space<hbm>> -> memref<128x128xf32, #tpu.memory_space<hbm>>
    %dma_wait3A_25 = arith.constant 0 : i32
    %dma_wait3A_26 = arith.constant 0 : i32
    %dma_wait3A_27 = tpu.memref_slice %arg4[%add3A_21, %dma_wait3A_25, %dma_wait3A_26] : memref<1600x128x128xf32, #tpu.memory_space<hbm>> -> memref<1x128x128xf32, #tpu.memory_space<hbm>>
    %dma_wait3A_28 = tpu.memref_squeeze %dma_wait3A_27 : memref<1x128x128xf32, #tpu.memory_space<hbm>> -> memref<128x128xf32, #tpu.memory_space<hbm>>
    tpu.wait_dma2 semaphore(%arg12 : memref<!tpu.dma_semaphore, #tpu.memory_space<semaphore_mem>>) src(%arg8 : memref<128x128xf32, #tpu.memory_space<vmem>>) dst(%dma_wait3A_28 : memref<128x128xf32, #tpu.memory_space<hbm>>)
    %mul3A_29 = arith.constant 50 : i32
    %mul3A_30 = arith.muli %add3A, %mul3A_29 : i32
    %add3A_31 = arith.constant 49 : i32
    %add3A_32 = arith.addi %mul3A_30, %add3A_31 : i32
    %dma_wait3A_33 = arith.constant 0 : i32
    %dma_wait3A_34 = arith.constant 0 : i32
    %dma_wait3A_35 = tpu.memref_slice %arg4[%add3A_32, %dma_wait3A_33, %dma_wait3A_34] : memref<1600x128x128xf32, #tpu.memory_space<hbm>> -> memref<1x128x128xf32, #tpu.memory_space<hbm>>
    %dma_wait3A_36 = tpu.memref_squeeze %dma_wait3A_35 : memref<1x128x128xf32, #tpu.memory_space<hbm>> -> memref<128x128xf32, #tpu.memory_space<hbm>>
    %dma_wait3A_37 = arith.constant 0 : i32
    %dma_wait3A_38 = arith.constant 0 : i32
    %dma_wait3A_39 = tpu.memref_slice %arg4[%add3A_32, %dma_wait3A_37, %dma_wait3A_38] : memref<1600x128x128xf32, #tpu.memory_space<hbm>> -> memref<1x128x128xf32, #tpu.memory_space<hbm>>
    %dma_wait3A_40 = tpu.memref_squeeze %dma_wait3A_39 : memref<1x128x128xf32, #tpu.memory_space<hbm>> -> memref<128x128xf32, #tpu.memory_space<hbm>>
    tpu.wait_dma2 semaphore(%arg13 : memref<!tpu.dma_semaphore, #tpu.memory_space<semaphore_mem>>) src(%arg9 : memref<128x128xf32, #tpu.memory_space<vmem>>) dst(%dma_wait3A_40 : memref<128x128xf32, #tpu.memory_space<hbm>>)
    return
  }
}

</mosaic_0001>

<sc_bundles>
// kernel: kernel.3.cloned.1.call-start
scs
__scs_entry_jumppad:
0x0: {  	(pc) =	sbr.rel $0x88, $3  }
0x1: {  	(tag) =	ssettag $0x0;
	lr =	simm.s32 $0x1  }
0x2: {  	[smem:$0x3F9F] =	sst lr;
	_ =	strace $0xD0000000  }
0x3: {  	_ = 	snop  }
0x4: {  	_ = 	snop  }
0x5: {  	_ = 	snop  }
0x6: {  	_ = 	snop  }
0x7: {  	_ = 	snop  }
__scs_overlays_trampoline_lowered:
0x8: {  	[smem:$0x3FAE] =	sst s0  }
0x9: {  	[smem:$0x3FAF] =	sst s1  }
0xa: {  	[smem:$0x3FB0] =	sst s2  }
0xb: {  	[smem:$0x3FB1] =	sst s3  }
0xc: {  	[smem:$0x3FB2] =	sst s4  }
0xd: {  	[smem:$0x3FB3] =	sst s5  }
0xe: {  	[smem:$0x3FB4] =	sst s6  }
0xf: {  	[smem:$0x3FB5] =	sst s7  }
0x10: {  	[smem:$0x3FB6] =	sst s8  }
0x11: {  	[smem:$0x3FB7] =	sst s9;
	s0 =	simm.s32 @!p0 $0x0  }
0x12: {  	s1 =	sld [smem:$0x3F9D];
	s0 =	simm.s32 @p0 $0x1  }
0x13: {  	[smem:$0x3FB8] =	sst s0;
	s0 =	simm.s32 @!p1 $0x0  }
0x14: {  	s2 =	sld [smem:$0x3F9C];
	s0 =	simm.s32 @p1 $0x1  }
0x15: {  	[smem:$0x3FB9] =	sst s0;
	s0 =	simm.s32 @!p2 $0x0  }
0x16: {  	s3 =	sld [smem:$0x3FDB];
	s0 =	simm.s32 @p2 $0x1  }
0x17: {  	s4 =	simm.s32 $0x1BF5;
	[smem:$0x3FBB] =	sst s0  }
0x18: {  	s0 =	sld [smem:$0x3F9E];
	_ =	swait.ge [sflag:s4], $0x0  }
0x19: {  	s7 =	sld [smem:$0x3F9F]  }
0x1a: {  	s8 =	sadd.s32 $0xFFFFE003, lr  }
0x1b: {  	s9 =	sadd.s32 $0xFFFFFEF7, lr;
	s5 =	simm.s32 $0xFFFFFFFF;
	p2 =	slt.u32 s8, $0xFFFFF086  }
0x1c: {  	p1 =	slt.u32 s9, $0xF7A;
	s5 =	simm.s32 @!p2 $0x0  }
0x1d: {  	s5 =	simm.s32 @p1 $0x1;
	p0 =	seq.s32 s7, s2  }
0x1e: {  	s7 =	smul.u32 @!p0 $0xF7A, s2;
	p2 =	seq.s32 @!p0 s5, $0x0  }
0x1f: {  	s9 =	smul.u32 $0xF7A, s1;
	s8 =	simm.s32 @!p0 $0x1BF5;
	p2 =	por !p2, p0  }
0x20: {  	[sflag:s8] =	ssyncset.s32 @!p0 $0xFFFFF086;
	s6 =	sadd.s32 @!p0 s3, s7;
	s7 =	simm.s32 @!p0 $0x108  }
0x21: {  	s3 =	sadd.s32 s3, s9;
	s6 =	sadd.s32 @!p0 $0x88, s6;
	s7 =	simm.s32 @p2 $0x1082  }
0x22: {  	[simem:s7], [sflag:s8] =	dma.local @!p0 [hbm:s6], $0xF7A  }
0x23: {  	s9 =	sor.u32 $0xD0000000, s2;
	s6 =	simm.s32 $0x108;
	_ =	swait.ge @!p0 [sflag:s8], $0x0  }
0x24: {  	s3 =	sadd.s32 $0x88, s3;
	s6 =	simm.s32 @!p1 $0x1082;
	[sflag:s4] =	ssyncset.s32 $0xFFFFF086  }
0x25: {  	[simem:s6], [sflag:s4] =	dma.local [hbm:s3], $0xF7A  }
0x26: {  	[smem:$0x3F9F] =	sst s1;
	(tag) =	ssettag s2;
	_ =	strace s9  }
0x27: {  	s1 =	sld [smem:$0x3FAF]  }
0x28: {  	s2 =	sld [smem:$0x3FB0]  }
0x29: {  	s4 =	sld [smem:$0x3FB2]  }
0x2a: {  	p0 =	seq.s32 s5, $0x0;
	s5 =	sld [smem:$0x3FB3]  }
0x2b: {  	s6 =	sld [smem:$0x3FB4]  }
0x2c: {  	s7 =	sld [smem:$0x3FB5]  }
0x2d: {  	s3 =	simm.s32 $0x108;
	s8 =	sld [smem:$0x3FB6]  }
0x2e: {  	s3 =	simm.s32 @!p0 $0x1082;
	s9 =	sld [smem:$0x3FB7]  }
0x2f: {  	lr =	sadd.s32 s0, s3;
	s0 =	sld [smem:$0x3FAE]  }
0x30: {  	s3 =	sld [smem:$0x3FB1]  }
0x31: {  	[smem:$0x3FBA] =	sst s10  }
0x32: {  	s10 =	sld [smem:$0x3FB8];
	_ =	sdelay $0x3  }
0x33: {  	p0 =	seq.s32 s10, $0x1;
	s10 =	sld [smem:$0x3FBA];
	_ =	sdelay $0x3  }
0x34: {  	[smem:$0x3FBA] =	sst s10  }
0x35: {  	s10 =	sld [smem:$0x3FB9];
	_ =	sdelay $0x3  }
0x36: {  	p1 =	seq.s32 s10, $0x1;
	s10 =	sld [smem:$0x3FBA];
	_ =	sdelay $0x3  }
0x37: {  	[smem:$0x3FBA] =	sst s10  }
0x38: {  	s10 =	sld [smem:$0x3FBB]  }
0x39: {  	_ = 	snop;
	(pc) =	sbr.ind lr, $3  }
0x3a: {  	_ = 	snop  }
0x3b: {  	_ = 	snop  }
0x3c: {  	p2 =	seq.s32 s10, $0x1;
	s10 =	sld [smem:$0x3FBA]  }
0x3d: {  	_ =	shalt  }
0x3e: {  	_ =	shalt  }
0x3f: {  	_ =	shalt  }
0x40: {  	_ =	shalt  }
0x41: {  	_ =	shalt  }
0x42: {  	_ =	shalt  }
0x43: {  	_ =	shalt  }
0x44: {  	_ =	shalt  }
0x45: {  	_ =	shalt  }
0x46: {  	_ =	shalt  }
0x47: {  	_ =	shalt  }
0x48: {  	_ =	shalt  }
0x49: {  	_ =	shalt  }
0x4a: {  	_ =	shalt  }
0x4b: {  	_ =	shalt  }
0x4c: {  	_ =	shalt  }
0x4d: {  	_ =	shalt  }
0x4e: {  	_ =	shalt  }
0x4f: {  	_ =	shalt  }
0x50: {  	_ =	shalt  }
0x51: {  	_ =	shalt  }
0x52: {  	_ =	shalt  }
0x53: {  	_ =	shalt  }
0x54: {  	_ =	shalt  }
0x55: {  	_ =	shalt  }
0x56: {  	_ =	shalt  }
0x57: {  	_ =	shalt  }
0x58: {  	_ =	shalt  }
0x59: {  	_ =	shalt  }
0x5a: {  	_ =	shalt  }
0x5b: {  	_ =	shalt  }
0x5c: {  	_ =	shalt  }
0x5d: {  	_ =	shalt  }
0x5e: {  	_ =	shalt  }
0x5f: {  	_ =	shalt  }
0x60: {  	_ =	shalt  }
0x61: {  	_ =	shalt  }
0x62: {  	_ =	shalt  }
0x63: {  	_ =	shalt  }
0x64: {  	_ =	shalt  }
0x65: {  	_ =	shalt  }
0x66: {  	_ =	shalt  }
0x67: {  	_ =	shalt  }
0x68: {  	_ =	shalt  }
0x69: {  	_ =	shalt  }
0x6a: {  	_ =	shalt  }
0x6b: {  	_ =	shalt  }
0x6c: {  	_ =	shalt  }
0x6d: {  	_ =	shalt  }
0x6e: {  	_ =	shalt  }
0x6f: {  	_ =	shalt  }
0x70: {  	_ =	shalt  }
0x71: {  	_ =	shalt  }
0x72: {  	_ =	shalt  }
0x73: {  	_ =	shalt  }
0x74: {  	_ =	shalt  }
0x75: {  	_ =	shalt  }
0x76: {  	_ =	shalt  }
0x77: {  	_ =	shalt  }
0x78: {  	_ =	shalt  }
0x79: {  	_ =	shalt  }
0x7a: {  	_ =	shalt  }
0x7b: {  	_ =	shalt  }
0x7c: {  	_ =	shalt  }
0x7d: {  	_ =	shalt  }
0x7e: {  	_ =	shalt  }
0x7f: {  	_ =	shalt  }
0x80: {  	_ =	shalt  }
0x81: {  	_ =	shalt  }
0x82: {  	_ =	shalt  }
0x83: {  	_ =	shalt  }
0x84: {  	_ =	shalt  }
0x85: {  	_ =	shalt  }
0x86: {  	_ =	shalt  }
0x87: {  	_ =	shalt  }
.Lfunc_end0:
.L_simem_size_0:
called_computation_lowered:
.L_overlay_start_0:
0x88: {  	s2 =	sld [smem:$0x3FD9]  }
0x89: {  	s3 =	sld [smem:$0x3FFE];
	_ =	sdelay $0x1  }
0x8a: {  	s1 =	srdreg.scid  }
0x8b: {  	s0 =	sand.u32 $0x1, s1  }
0x8c: {  	s17 =	sshll.u32 s0, $0xA;
	s2 =	sadd.s32 s3, s2  }
0x8d: {  	s2 =	sadd.s32 s2, s17  }
0x8e: {  	[smem:$0x3FC6] =	sst s2  }
0x8f: {  	_ = 	snop  }
0x90: {  	s2 =	sld [smem:$0x3FC8]  }
0x91: {  	s18 =	sld [smem:$0x3FD0];
	(tm) =	ssettm $0x1  }
0x92: {  	s4 =	sld [smem:$0x3FFB];
	_ =	sdelay $0x3  }
0x93: {  	_ =	strace s4  }
0x94: {  	s4 =	sld [smem:$0x3FFC];
	_ =	sdelay $0x3  }
0x95: {  	_ =	strace s4  }
0x96: {  	s4 =	sld [smem:$0x3FFD];
	_ =	sdelay $0x3  }
0x97: {  	_ =	strace s4  }
0x98: {  	_ =	strace $0x8FFFFFFF  }
0x99: {  	s19 =	sld [smem:$0x3FDB];
	_ =	sdelay $0x1  }
0x9a: {  	s5 =	simm.s32 $_scs_section_size  }
0x9b: {  	s6 =	simm.s32 $_size__tile_overlayer_lowered;
	s7 =	simm.s32 $_tile_overlayer_lowered  }
0x9c: {  	s22 =	simm.s32 $0x1BFF;
	s21 =	sshll.u32 s7, $0x1;
	s4 =	sadd.s32 s5, s19  }
0x9d: {  	s8 =	simm.s32 $0x0;
	s20 =	sshll.u32 s6, $0x1;
	s6 =	sadd.s32 s21, s4  }
0x9e: {  	[timem:s8], [sflag:s22] =	dma.local [hbm:s6], s20  }
0x9f: {  	_ =	swait.ge [sflag:s22], s20  }
0xa0: {  	s5 =	ssub.s32 $0x0, s20;
	[sflag:s22] =	ssyncset.done $0x0  }
0xa1: {  	[sflag:s22] =	ssyncadd.s32 s5;
	_ =	sdelay $0x1  }
0xa2: {  	s23 =	simm.s32 $0x1B8B  }
0xa3: {  	_ =	swait.ge [sflag:s23], $0x1  }
0xa4: {  	[sflag:s23] =	ssyncset.done $0x0  }
0xa5: {  	s25 =	simm.s32 $0x1B8E;
	s24 =	sld [smem:$0x3FFE];
	[sflag:s23] =	ssyncadd.s32 $0xFFFFFFFF  }
0xa6: {  	s26 =	simm.s32 $execute0_lowered;
	[smem:$0x3FD2] =	sst s25  }
0xa7: {  	s6 =	sshll.u32 s26, $0x1;
	_ =	strace $0x80000046;
	[dreg:$0x1] =	wrdreg $0xFFFFFFFF  }
0xa8: {  	s28 =	simm.s32 $_size_execute0_lowered;
	s4 =	sadd.s32 s4, s6;
	[dreg:$0x0] =	wrdreg $0x0  }
0xa9: {  	s6 =	sshll.u32 s28, $0x1;
	[dreg:$0x2] =	wrdreg s4  }
0xaa: {  	[dreg:$0x3] =	wrdreg s6  }
0xab: {  	[dreg:$0x4] =	wrdreg $0xC0  }
0xac: {  	_ =	task [dreg:s8], $0x5FFFF  }
0xad: {  	[dreg:$0x1] =	wrdreg $0xFFFFFFFF  }
0xae: {  	[dreg:$0x0] =	wrdreg $0x60  }
0xaf: {  	[dreg:$0x2] =	wrdreg s24  }
0xb0: {  	[dreg:$0x3] =	wrdreg s2  }
0xb1: {  	[dreg:$0x4] =	wrdreg s18  }
0xb2: {  	[dreg:$0x5] =	wrdreg $0x9  }
0xb3: {  	_ =	task.clear_ibuf [dreg:s8], $0x6FFFF;
	_ =	strace $0x90000046  }
0xb4: {  	s29 =	simm.s32 $0x9;
	_ =	strace $0x80000048  }
0xb5: {  	_ =	swait.ge [sflag:s29], $0x1  }
0xb6: {  	[sflag:s29] =	ssyncadd.s32 $0xFFFFFFFF  }
0xb7: {  	_ =	strace $0x90000048  }
0xb8: {  	_ =	sfence  }
0xb9: {  	s30 =	sld [smem:$0x0];
	_ =	sdelay $0x2  }
0xba: {  	s31 =	sshll.u32 s1, $0xD;
	s1 =	sshrl.u32 s1, $0x2  }
0xbb: {  	s3 =	sand.u32 $0x4000, s31;
	s1 =	sadd.s32 s1, s30  }
0xbc: {  	s0 =	sor.u32 s3, s0;
	s1 =	sshll.u32 s1, $0x11  }
0xbd: {  	s0 =	sor.u32 s1, s0  }
0xbe: {  	s0 =	sadd.s32 $0x8F2B, s0  }
0xbf: {  	[sflag:s0] =	ssyncadd.remote.s32 $0x1  }
0xc0: {  	_ =	sfence.sel $0xFFFF  }
0xc1: {  	[dreg:$0x0] =	wrdreg $0xFFFFFFFF;
	(pc) =	sbr.abs _section_cstart, $3  }
0xc2: {  	[dreg:$0x1] =	wrdreg $0xFFFFFFFF  }
0xc3: {  	_ =	task.clear_ibuf [dreg:s8], $0x2FFFF;
	_ =	strace $0x9FFFFFFF  }
0xc4: {  	(tm) =	ssettm $0x7FFFFFFF  }
0xc5: {  	_ =	shalt  }
tec
execute0_lowered:
.L_overlay_start_1:
0x0: {  	(tag) =	ssettag $0x1  }
0x1: {  	s6 =	rddreg [dreg:$0x0]  }
0x2: {  	s1 =	srdreg.scid;
	s2 =	rddreg [dreg:$0x1]  }
0x3: {  	s0 =	stileid.u32;
	s3 =	rddreg [dreg:$0x2];
	s4 =	simm.s32 $0x0  }
0x4: {  	s10 =	simm.s32 $0x80;
	s11 =	simm.s32 $0x1C00;
	s12 =	simm.s32 $0x5C00  }
0x5: {  	s13 =	simm.s32 $0x1;
	s14 =	simm.s32 $0x9C00;
	s15 =	simm.s32 $0x2  }
0x6: {  	s16 =	simm.s32 $0xDC00;
	s17 =	simm.s32 $0x3;
	s18 =	simm.s32 $0x4  }
0x7: {  	s19 =	simm.s32 $0x0;
	s5 =	sand.u32 $0x1, s1;
	s28 =	sshll.u32 s0, $0x1  }
0x8: {  	s29 =	simm.s32 $0x5D00;
	s1 =	rddreg [dreg:$0x3];
	s7 =	sor.u32 s5, s28  }
0x9: {  	[smem:$0x7FF] =	sst s4;
	s9 =	ssub.s32 $0x2, s5;
	s8 =	smul.u32 $0x380, s7  }
0xa: {  	_ =	strace $0x80000047;
	s5 =	smul.u32 $0x32, s7;
	s30 =	sshrl.u32 s9, $0x1  }
0xb: {  	s31 =	ssub.s32 s9, s30;
	s9 =	simm.s32 $0x5;
	s6 =	sadd.s32 s8, s6  }
0xc: {  	s7 =	sor.u32 $0x1, s5;
	s8 =	smax.u32 s31, $0x1;
	s6 =	sadd.s32 $0x400, s6  }
.LBB2_1:
0xd: {  	[tilespmem:s4], [sflag:$0x5] =	stream.linear.gather [hbm4b:s6+s4], $0x1900, $0x38;
	[tilespmem:$0x11C00] =	vst v63  }
0xe: {  	_ =	swait.ge [sflag:s9], $0x1900  }
0xf: {  	[sflag:s9] =	ssyncset.done $0x0  }
0x10: {  	[sflag:s9] =	ssyncadd.s32 $0xFFFFE700  }
0x11: {  	[tilespmem:s11], [sflag:$0x1] =	stream.indirect.gather [hbm4b:s2+s10], $0x80, s4, s10, $0xb8;
	[tilespmem:$0x11C00] =	vst v63  }
0x12: {  	s20 =	simm.s32 $0x0  }
0x13: {  	[tilespmem:s12], [sflag:$0x2] =	stream.indirect.gather [hbm4b:s2+s10], $0x80, s10, s10, $0xb8;
	[tilespmem:$0x11C00] =	vst v63  }
.LBB2_2:
0x14: {  	_ =	swait.ge [sflag:s13], $0x4000  }
0x15: {  	p1 =	seq.s32 s20, $0x0;
	[sflag:s13] =	ssyncset.done $0x0  }
0x16: {  	s21 =	simm.s32 @!p1 $0x3;
	[sflag:s13] =	ssyncadd.s32 $0xFFFFC000  }
0x17: {  	_ =	swait.ge @!p1 [sflag:s21], $0x4000  }
0x18: {  	[sflag:s21] =	ssyncset.done @!p1 $0x0  }
0x19: {  	s28 =	simm.s32 $0x1D00;
	[sflag:s21] =	ssyncadd.s32 @!p1 $0xFFFFC000  }
0x1a: {  	v0 =	vld [tilespmem:s28+$0x80];
	_ =	sdelay $0x3  }
0x1b: {  	v1 =	vld [tilespmem:s28+$0xFFFFFF00]  }
0x1c: {  	v2 =	vld [tilespmem:s28+$0xFFFFFF80];
	v0 =	vmul.f32 $1.131370830e+01, v0  }
0x1d: {  	s22 =	simm.s32 $0x9D00;
	v3 =	vld [tilespmem:s28+$0x0]  }
0x1e: {  	[tilespmem:s22+$0x80] =	vst v0  }
0x1f: {  	v0 =	vld [tilespmem:s28+$0x90]  }
0x20: {  	v1 =	vmul.f32 $1.131370830e+01, v1  }
0x21: {  	v2 =	vmul.f32 $1.131370830e+01, v2  }
0x22: {  	v3 =	vmul.f32 $1.131370830e+01, v3;
	[tilespmem:s22+$0xFFFFFF00] =	vst v1  }
0x23: {  	[tilespmem:s22+$0xFFFFFF80] =	vst v2;
	v1 =	vld [tilespmem:s28+$0xFFFFFF10]  }
0x24: {  	[tilespmem:s22+$0x0] =	vst v3;
	v2 =	vld [tilespmem:s28+$0xFFFFFF90];
	v0 =	vmul.f32 $1.131370830e+01, v0  }
0x25: {  	v3 =	vld [tilespmem:s28+$0x10]  }
0x26: {  	[tilespmem:s22+$0x90] =	vst v0  }
0x27: {  	v0 =	vld [tilespmem:s28+$0xA0]  }
0x28: {  	v1 =	vmul.f32 $1.131370830e+01, v1  }
0x29: {  	v2 =	vmul.f32 $1.131370830e+01, v2  }
0x2a: {  	v3 =	vmul.f32 $1.131370830e+01, v3;
	[tilespmem:s22+$0xFFFFFF10] =	vst v1  }
0x2b: {  	[tilespmem:s22+$0xFFFFFF90] =	vst v2;
	v1 =	vld [tilespmem:s28+$0xFFFFFF20]  }
0x2c: {  	[tilespmem:s22+$0x10] =	vst v3;
	v2 =	vld [tilespmem:s28+$0xFFFFFFA0];
	v0 =	vmul.f32 $1.131370830e+01, v0  }
0x2d: {  	v3 =	vld [tilespmem:s28+$0x20]  }
0x2e: {  	[tilespmem:s22+$0xA0] =	vst v0  }
0x2f: {  	v0 =	vld [tilespmem:s28+$0xB0]  }
0x30: {  	v1 =	vmul.f32 $1.131370830e+01, v1  }
0x31: {  	v2 =	vmul.f32 $1.131370830e+01, v2  }
0x32: {  	v3 =	vmul.f32 $1.131370830e+01, v3;
	[tilespmem:s22+$0xFFFFFF20] =	vst v1  }
0x33: {  	[tilespmem:s22+$0xFFFFFFA0] =	vst v2;
	v1 =	vld [tilespmem:s28+$0xFFFFFF30]  }
0x34: {  	[tilespmem:s22+$0x20] =	vst v3;
	v2 =	vld [tilespmem:s28+$0xFFFFFFB0];
	v0 =	vmul.f32 $1.131370830e+01, v0  }
0x35: {  	s23 =	simm.s32 $0x1F00;
	v3 =	vld [tilespmem:s28+$0x30]  }
0x36: {  	[tilespmem:s22+$0xB0] =	vst v0;
	v0 =	vld [tilespmem:s23+$0x80]  }
0x37: {  	v4 =	vld [tilespmem:s28+$0xC0]  }
0x38: {  	v5 =	vld [tilespmem:s23+$0xFFFFFF80];
	v1 =	vmul.f32 $1.131370830e+01, v1  }
0x39: {  	v6 =	vld [tilespmem:s23+$0x0];
	v2 =	vmul.f32 $1.131370830e+01, v2  }
0x3a: {  	v3 =	vmul.f32 $1.131370830e+01, v3;
	[tilespmem:s22+$0xFFFFFF30] =	vst v1;
	v1 =	vld [tilespmem:s23+$0xFFFFFF00]  }
0x3b: {  	[tilespmem:s22+$0xFFFFFFB0] =	vst v2;
	v2 =	vld [tilespmem:s28+$0xFFFFFF40];
	v0 =	vmul.f32 $1.131370830e+01, v0  }
0x3c: {  	s24 =	simm.s32 $0x9F00;
	[tilespmem:s22+$0x30] =	vst v3;
	v3 =	vld [tilespmem:s28+$0xFFFFFFC0];
	v4 =	vmul.f32 $1.131370830e+01, v4  }
0x3d: {  	v5 =	vmul.f32 $1.131370830e+01, v5;
	[tilespmem:s24+$0x80] =	vst v0;
	v0 =	vld [tilespmem:s28+$0x40]  }
0x3e: {  	v6 =	vmul.f32 $1.131370830e+01, v6;
	v7 =	vld [tilespmem:s23+$0x90];
	[tilespmem:s22+$0xC0] =	vst v4  }
0x3f: {  	[tilespmem:s24+$0xFFFFFF80] =	vst v5;
	v1 =	vmul.f32 $1.131370830e+01, v1;
	v4 =	vld [tilespmem:s28+$0xD0]  }
0x40: {  	[tilespmem:s24+$0x0] =	vst v6;
	v5 =	vld [tilespmem:s23+$0xFFFFFF90];
	v2 =	vmul.f32 $1.131370830e+01, v2  }
0x41: {  	v3 =	vmul.f32 $1.131370830e+01, v3;
	[tilespmem:s24+$0xFFFFFF00] =	vst v1;
	v1 =	vld [tilespmem:s23+$0x10]  }
0x42: {  	v6 =	vld [tilespmem:s23+$0xFFFFFF10];
	[tilespmem:s22+$0xFFFFFF40] =	vst v2;
	v0 =	vmul.f32 $1.131370830e+01, v0  }
0x43: {  	[tilespmem:s22+$0xFFFFFFC0] =	vst v3;
	v2 =	vmul.f32 $1.131370830e+01, v7;
	v7 =	vld [tilespmem:s28+$0xFFFFFF50]  }
0x44: {  	v3 =	vld [tilespmem:s28+$0xFFFFFFD0];
	[tilespmem:s22+$0x40] =	vst v0;
	v0 =	vmul.f32 $1.131370830e+01, v4  }
0x45: {  	v4 =	vmul.f32 $1.131370830e+01, v5;
	[tilespmem:s24+$0x90] =	vst v2;
	v2 =	vld [tilespmem:s28+$0x50]  }
0x46: {  	v1 =	vmul.f32 $1.131370830e+01, v1;
	v5 =	vld [tilespmem:s23+$0xA0];
	[tilespmem:s22+$0xD0] =	vst v0  }
0x47: {  	v0 =	vmul.f32 $1.131370830e+01, v6;
	[tilespmem:s24+$0xFFFFFF90] =	vst v4;
	v4 =	vld [tilespmem:s28+$0xE0]  }
0x48: {  	[tilespmem:s24+$0x10] =	vst v1;
	v6 =	vld [tilespmem:s23+$0xFFFFFFA0];
	v1 =	vmul.f32 $1.131370830e+01, v7  }
0x49: {  	v3 =	vmul.f32 $1.131370830e+01, v3;
	[tilespmem:s24+$0xFFFFFF10] =	vst v0;
	v0 =	vld [tilespmem:s23+$0x20]  }
0x4a: {  	v7 =	vld [tilespmem:s23+$0xFFFFFF20];
	[tilespmem:s22+$0xFFFFFF50] =	vst v1;
	v1 =	vmul.f32 $1.131370830e+01, v2  }
0x4b: {  	[tilespmem:s22+$0xFFFFFFD0] =	vst v3;
	v2 =	vmul.f32 $1.131370830e+01, v5;
	v5 =	vld [tilespmem:s28+$0xFFFFFF60]  }
0x4c: {  	v3 =	vld [tilespmem:s28+$0xFFFFFFE0];
	[tilespmem:s22+$0x50] =	vst v1;
	v1 =	vmul.f32 $1.131370830e+01, v4  }
0x4d: {  	v4 =	vmul.f32 $1.131370830e+01, v6;
	[tilespmem:s24+$0xA0] =	vst v2;
	v2 =	vld [tilespmem:s28+$0x60]  }
0x4e: {  	v0 =	vmul.f32 $1.131370830e+01, v0;
	v6 =	vld [tilespmem:s23+$0xB0];
	[tilespmem:s22+$0xE0] =	vst v1  }
0x4f: {  	v1 =	vmul.f32 $1.131370830e+01, v7;
	[tilespmem:s24+$0xFFFFFFA0] =	vst v4;
	v7 =	vld [tilespmem:s28+$0xF0]  }
0x50: {  	v8 =	vld [tilespmem:s23+$0xFFFFFFB0];
	[tilespmem:s24+$0x20] =	vst v0;
	v0 =	vmul.f32 $1.131370830e+01, v5  }
0x51: {  	v3 =	vmul.f32 $1.131370830e+01, v3;
	[tilespmem:s24+$0xFFFFFF20] =	vst v1;
	v4 =	vld [tilespmem:s23+$0x30]  }
0x52: {  	v5 =	vld [tilespmem:s23+$0xFFFFFF30];
	[tilespmem:s22+$0xFFFFFF60] =	vst v0;
	v2 =	vmul.f32 $1.131370830e+01, v2  }
0x53: {  	[tilespmem:s22+$0xFFFFFFE0] =	vst v3;
	v9 =	vmul.f32 $1.131370830e+01, v6;
	v1 =	vld [tilespmem:s28+$0xFFFFFF70]  }
0x54: {  	v0 =	vld [tilespmem:s28+$0xFFFFFFF0];
	[tilespmem:s22+$0x60] =	vst v2;
	v3 =	vmul.f32 $1.131370830e+01, v7  }
0x55: {  	s25 =	simm.s32 $0x4;
	s26 =	simm.s32 $0x2100;
	s21 =	sshll.u32 s20, $0x1;
	v6 =	vmul.f32 $1.131370830e+01, v8;
	[tilespmem:s24+$0xB0] =	vst v9;
	v2 =	vld [tilespmem:s28+$0x70]  }
.LBB2_3:
0x56: {  	v7 =	vld [tilespmem:s26+$0x80];
	v4 =	vmul.f32 $1.131370830e+01, v4;
	[tilespmem:s22+$0xF0] =	vst v3  }
0x57: {  	s25 =	sadd.s32 $0x4, s25;
	v3 =	vmul.f32 $1.131370830e+01, v5;
	[tilespmem:s24+$0xFFFFFFB0] =	vst v6;
	v5 =	vld [tilespmem:s23+$0xC0]  }
0x58: {  	p0 =	slt.u32 s25, $0x7C;
	v6 =	vld [tilespmem:s26+$0xFFFFFF80];
	[tilespmem:s24+$0x30] =	vst v4;
	v1 =	vmul.f32 $1.131370830e+01, v1  }
0x59: {  	v4 =	vld [tilespmem:s26+$0x0];
	[tilespmem:s24+$0xFFFFFF30] =	vst v3;
	v0 =	vmul.f32 $1.131370830e+01, v0  }
0x5a: {  	v3 =	vld [tilespmem:s26+$0xFFFFFF00];
	[tilespmem:s22+$0xFFFFFF70] =	vst v1;
	v1 =	vmul.f32 $1.131370830e+01, v2  }
0x5b: {  	v2 =	vmul.f32 $1.131370830e+01, v7;
	v7 =	vld [tilespmem:s23+$0xFFFFFF40];
	[tilespmem:s22+$0xFFFFFFF0] =	vst v0  }
0x5c: {  	v0 =	vld [tilespmem:s23+$0xFFFFFFC0];
	v5 =	vmul.f32 $1.131370830e+01, v5;
	[tilespmem:s22+$0x70] =	vst v1;
	s22 =	smov.u32 s24;
	s24 =	sadd.s32 $0x200, s24  }
0x5d: {  	v1 =	vmul.f32 $1.131370830e+01, v6;
	[tilespmem:s24+$0x80] =	vst v2;
	v2 =	vld [tilespmem:s23+$0x40]  }
0x5e: {  	v4 =	vmul.f32 $1.131370830e+01, v4;
	v6 =	vld [tilespmem:s26+$0x90];
	[tilespmem:s22+$0xC0] =	vst v5  }
0x5f: {  	v3 =	vmul.f32 $1.131370830e+01, v3;
	[tilespmem:s24+$0xFFFFFF80] =	vst v1;
	v1 =	vld [tilespmem:s23+$0xD0]  }
0x60: {  	v5 =	vld [tilespmem:s26+$0xFFFFFF90];
	[tilespmem:s24+$0x0] =	vst v4;
	v4 =	vmul.f32 $1.131370830e+01, v7  }
0x61: {  	[tilespmem:s24+$0xFFFFFF00] =	vst v3;
	v3 =	vld [tilespmem:s26+$0x10];
	v0 =	vmul.f32 $1.131370830e+01, v0  }
0x62: {  	v7 =	vld [tilespmem:s26+$0xFFFFFF10];
	[tilespmem:s22+$0xFFFFFF40] =	vst v4;
	v2 =	vmul.f32 $1.131370830e+01, v2  }
0x63: {  	v4 =	vmul.f32 $1.131370830e+01, v6;
	v6 =	vld [tilespmem:s23+$0xFFFFFF50];
	[tilespmem:s22+$0xFFFFFFC0] =	vst v0  }
0x64: {  	v0 =	vld [tilespmem:s23+$0xFFFFFFD0];
	[tilespmem:s22+$0x40] =	vst v2;
	v1 =	vmul.f32 $1.131370830e+01, v1  }
0x65: {  	v2 =	vmul.f32 $1.131370830e+01, v5;
	[tilespmem:s24+$0x90] =	vst v4;
	v4 =	vld [tilespmem:s23+$0x50]  }
0x66: {  	v3 =	vmul.f32 $1.131370830e+01, v3;
	v5 =	vld [tilespmem:s26+$0xA0];
	[tilespmem:s22+$0xD0] =	vst v1  }
0x67: {  	v1 =	vmul.f32 $1.131370830e+01, v7;
	[tilespmem:s24+$0xFFFFFF90] =	vst v2;
	v2 =	vld [tilespmem:s23+$0xE0]  }
0x68: {  	v7 =	vld [tilespmem:s26+$0xFFFFFFA0];
	[tilespmem:s24+$0x10] =	vst v3;
	v3 =	vmul.f32 $1.131370830e+01, v6  }
0x69: {  	[tilespmem:s24+$0xFFFFFF10] =	vst v1;
	v1 =	vld [tilespmem:s26+$0x20];
	v0 =	vmul.f32 $1.131370830e+01, v0  }
0x6a: {  	v6 =	vld [tilespmem:s26+$0xFFFFFF20];
	[tilespmem:s22+$0xFFFFFF50] =	vst v3;
	v3 =	vmul.f32 $1.131370830e+01, v4  }
0x6b: {  	v4 =	vmul.f32 $1.131370830e+01, v5;
	v5 =	vld [tilespmem:s23+$0xFFFFFF60];
	[tilespmem:s22+$0xFFFFFFD0] =	vst v0  }
0x6c: {  	v0 =	vld [tilespmem:s23+$0xFFFFFFE0];
	[tilespmem:s22+$0x50] =	vst v3;
	v2 =	vmul.f32 $1.131370830e+01, v2  }
0x6d: {  	v3 =	vmul.f32 $1.131370830e+01, v7;
	[tilespmem:s24+$0xA0] =	vst v4;
	v7 =	vld [tilespmem:s23+$0x60]  }
0x6e: {  	v1 =	vmul.f32 $1.131370830e+01, v1;
	v8 =	vld [tilespmem:s26+$0xB0];
	[tilespmem:s22+$0xE0] =	vst v2  }
0x6f: {  	v2 =	vmul.f32 $1.131370830e+01, v6;
	[tilespmem:s24+$0xFFFFFFA0] =	vst v3;
	v3 =	vld [tilespmem:s23+$0xF0]  }
0x70: {  	v6 =	vld [tilespmem:s26+$0xFFFFFFB0];
	[tilespmem:s24+$0x20] =	vst v1;
	v1 =	vmul.f32 $1.131370830e+01, v5  }
.Ltmp0:
0x71: {  	[tilespmem:s24+$0xFFFFFF20] =	vst v2;
	v4 =	vld [tilespmem:s26+$0x30];
	v0 =	vmul.f32 $1.131370830e+01, v0;
	(pc) =	sbr.rel @p0 .LBB2_3-.Ltmp0, $4  }
0x72: {  	v5 =	vld [tilespmem:s26+$0xFFFFFF30];
	[tilespmem:s22+$0xFFFFFF60] =	vst v1;
	v2 =	vmul.f32 $1.131370830e+01, v7  }
0x73: {  	v7 =	vmul.f32 $1.131370830e+01, v8;
	v1 =	vld [tilespmem:s23+$0xFFFFFF70];
	[tilespmem:s22+$0xFFFFFFE0] =	vst v0  }
0x74: {  	v0 =	vld [tilespmem:s23+$0xFFFFFFF0];
	[tilespmem:s22+$0x60] =	vst v2;
	v3 =	vmul.f32 $1.131370830e+01, v3  }
0x75: {  	v6 =	vmul.f32 $1.131370830e+01, v6;
	[tilespmem:s24+$0xB0] =	vst v7;
	v2 =	vld [tilespmem:s23+$0x70];
	s23 =	smov.u32 s26;
	s26 =	sadd.s32 $0x200, s26  }
0x76: {  	_ = 	snop  }
0x77: {  	v5 =	vmul.f32 $1.131370830e+01, v5;
	_ =	sdelay $0x1  }
0x78: {  	v4 =	vmul.f32 $1.131370830e+01, v4;
	v7 =	vld [tilespmem:s23+$0xC0];
	[tilespmem:s24+$0xFFFFFF30] =	vst v5  }
0x79: {  	[tilespmem:s24+$0xFFFFFFB0] =	vst v6;
	v5 =	vld [tilespmem:s23+$0xFFFFFF40]  }
0x7a: {  	[tilespmem:s24+$0x30] =	vst v4;
	v4 =	vld [tilespmem:s23+$0xFFFFFFC0]  }
0x7b: {  	v6 =	vld [tilespmem:s23+$0x40];
	_ =	sdelay $0x1  }
0x7c: {  	v7 =	vmul.f32 $1.131370830e+01, v7  }
0x7d: {  	v5 =	vmul.f32 $1.131370830e+01, v5  }
0x7e: {  	[tilespmem:s24+$0xC0] =	vst v7;
	v4 =	vmul.f32 $1.131370830e+01, v4  }
0x7f: {  	v7 =	vld [tilespmem:s23+$0xD0];
	[tilespmem:s24+$0xFFFFFF40] =	vst v5;
	v5 =	vmul.f32 $1.131370830e+01, v6  }
0x80: {  	[tilespmem:s24+$0xFFFFFFC0] =	vst v4;
	v6 =	vld [tilespmem:s23+$0xFFFFFF50]  }
0x81: {  	v4 =	vld [tilespmem:s23+$0xFFFFFFD0];
	[tilespmem:s24+$0x40] =	vst v5  }
0x82: {  	v5 =	vld [tilespmem:s23+$0x50];
	_ =	sdelay $0x1  }
0x83: {  	v7 =	vmul.f32 $1.131370830e+01, v7  }
0x84: {  	v6 =	vmul.f32 $1.131370830e+01, v6  }
0x85: {  	[tilespmem:s24+$0xD0] =	vst v7;
	v4 =	vmul.f32 $1.131370830e+01, v4  }
0x86: {  	v7 =	vld [tilespmem:s23+$0xE0];
	[tilespmem:s24+$0xFFFFFF50] =	vst v6;
	v5 =	vmul.f32 $1.131370830e+01, v5  }
0x87: {  	[tilespmem:s24+$0xFFFFFFD0] =	vst v4;
	v6 =	vld [tilespmem:s23+$0xFFFFFF60]  }
0x88: {  	v4 =	vld [tilespmem:s23+$0xFFFFFFE0];
	[tilespmem:s24+$0x50] =	vst v5  }
0x89: {  	v5 =	vld [tilespmem:s23+$0x60];
	_ =	sdelay $0x1  }
0x8a: {  	v7 =	vmul.f32 $1.131370830e+01, v7  }
0x8b: {  	v6 =	vmul.f32 $1.131370830e+01, v6  }
0x8c: {  	[tilespmem:s24+$0xE0] =	vst v7;
	v4 =	vmul.f32 $1.131370830e+01, v4  }
0x8d: {  	v7 =	vld [tilespmem:s23+$0xF0];
	[tilespmem:s24+$0xFFFFFF60] =	vst v6;
	v5 =	vmul.f32 $1.131370830e+01, v5  }
0x8e: {  	[tilespmem:s24+$0xFFFFFFE0] =	vst v4;
	v6 =	vld [tilespmem:s23+$0xFFFFFF70]  }
0x8f: {  	v1 =	vmul.f32 $1.131370830e+01, v1;
	v4 =	vld [tilespmem:s23+$0xFFFFFFF0];
	[tilespmem:s24+$0x60] =	vst v5  }
0x90: {  	[tilespmem:s22+$0xF0] =	vst v3;
	v0 =	vmul.f32 $1.131370830e+01, v0;
	v3 =	vld [tilespmem:s23+$0x70]  }
0x91: {  	[tilespmem:s22+$0xFFFFFF70] =	vst v1;
	v1 =	vmul.f32 $1.131370830e+01, v2  }
0x92: {  	[tilespmem:s22+$0xFFFFFFF0] =	vst v0;
	v0 =	vmul.f32 $1.131370830e+01, v7  }
0x93: {  	[tilespmem:s22+$0x70] =	vst v1;
	v1 =	vmul.f32 $1.131370830e+01, v6  }
0x94: {  	p0 =	seq.s32 s20, $0x18;
	[tilespmem:s24+$0xF0] =	vst v0;
	v0 =	vmul.f32 $1.131370830e+01, v4  }
0x95: {  	s22 =	sshll.u32 @!p0 s20, $0x8;
	[tilespmem:s24+$0xFFFFFF70] =	vst v1;
	v1 =	vmul.f32 $1.131370830e+01, v3  }
0x96: {  	s31 =	sadd.s32 s5, s21;
	s22 =	sand.u32 @!p0 $0x3FFFFF00, s22;
	[tilespmem:s24+$0xFFFFFFF0] =	vst v0  }
0x97: {  	s25 =	simm.s32 @!p0 $0x1C00;
	s23 =	sadd.s32 @!p0 $0x100, s22;
	[tilespmem:s24+$0x70] =	vst v1;
	s24 =	simm.s32 @!p0 $0x80  }
0x98: {  	[tilespmem:s25], [sflag:$0x1] =	stream.indirect.gather @!p0 [hbm4b:s2+s24], $0x80, s23, s24, $0xb8;
	[tilespmem:$0x11C00] =	vst v63  }
0x99: {  	s23 =	sshll.u32 s31, $0xB  }
0x9a: {  	s23 =	sadd.s32 s3, s23  }
0x9b: {  	[hbm4b:s23+s4] =	stream.linear.scatter [tilespmem:s14], [sflag:$0x3], $0x4000, $0x38;
	[tilespmem:$0x11C00] =	vst v63  }
0x9c: {  	_ =	swait.ge [sflag:s15], $0x4000  }
0x9d: {  	[sflag:s15] =	ssyncset.done $0x0  }
0x9e: {  	s23 =	simm.s32 @!p1 $0x4;
	[sflag:s15] =	ssyncadd.s32 $0xFFFFC000  }
0x9f: {  	_ =	swait.ge @!p1 [sflag:s23], $0x4000  }
0xa0: {  	[sflag:s23] =	ssyncset.done @!p1 $0x0  }
0xa1: {  	[sflag:s23] =	ssyncadd.s32 @!p1 $0xFFFFC000  }
0xa2: {  	v0 =	vld [tilespmem:s29+$0x80];
	_ =	sdelay $0x3  }
0xa3: {  	v1 =	vld [tilespmem:s29+$0xFFFFFF00]  }
0xa4: {  	v2 =	vld [tilespmem:s29+$0xFFFFFF80];
	v0 =	vmul.f32 $1.131370830e+01, v0  }
0xa5: {  	s23 =	simm.s32 $0xDD00;
	v3 =	vld [tilespmem:s29+$0x0]  }
0xa6: {  	[tilespmem:s23+$0x80] =	vst v0  }
0xa7: {  	v0 =	vld [tilespmem:s29+$0x90]  }
0xa8: {  	v1 =	vmul.f32 $1.131370830e+01, v1  }
0xa9: {  	v2 =	vmul.f32 $1.131370830e+01, v2  }
0xaa: {  	v3 =	vmul.f32 $1.131370830e+01, v3;
	[tilespmem:s23+$0xFFFFFF00] =	vst v1  }
0xab: {  	[tilespmem:s23+$0xFFFFFF80] =	vst v2;
	v1 =	vld [tilespmem:s29+$0xFFFFFF10]  }
0xac: {  	[tilespmem:s23+$0x0] =	vst v3;
	v2 =	vld [tilespmem:s29+$0xFFFFFF90];
	v0 =	vmul.f32 $1.131370830e+01, v0  }
0xad: {  	v3 =	vld [tilespmem:s29+$0x10]  }
0xae: {  	[tilespmem:s23+$0x90] =	vst v0  }
0xaf: {  	v0 =	vld [tilespmem:s29+$0xA0]  }
0xb0: {  	v1 =	vmul.f32 $1.131370830e+01, v1  }
0xb1: {  	v2 =	vmul.f32 $1.131370830e+01, v2  }
0xb2: {  	v3 =	vmul.f32 $1.131370830e+01, v3;
	[tilespmem:s23+$0xFFFFFF10] =	vst v1  }
0xb3: {  	[tilespmem:s23+$0xFFFFFF90] =	vst v2;
	v1 =	vld [tilespmem:s29+$0xFFFFFF20]  }
0xb4: {  	[tilespmem:s23+$0x10] =	vst v3;
	v2 =	vld [tilespmem:s29+$0xFFFFFFA0];
	v0 =	vmul.f32 $1.131370830e+01, v0  }
0xb5: {  	v3 =	vld [tilespmem:s29+$0x20]  }
0xb6: {  	[tilespmem:s23+$0xA0] =	vst v0  }
0xb7: {  	v0 =	vld [tilespmem:s29+$0xB0]  }
0xb8: {  	v1 =	vmul.f32 $1.131370830e+01, v1  }
0xb9: {  	v2 =	vmul.f32 $1.131370830e+01, v2  }
0xba: {  	v3 =	vmul.f32 $1.131370830e+01, v3;
	[tilespmem:s23+$0xFFFFFF20] =	vst v1  }
0xbb: {  	[tilespmem:s23+$0xFFFFFFA0] =	vst v2;
	v1 =	vld [tilespmem:s29+$0xFFFFFF30]  }
0xbc: {  	[tilespmem:s23+$0x20] =	vst v3;
	v2 =	vld [tilespmem:s29+$0xFFFFFFB0];
	v0 =	vmul.f32 $1.131370830e+01, v0  }
0xbd: {  	s24 =	simm.s32 $0x5F00;
	v3 =	vld [tilespmem:s29+$0x30]  }
0xbe: {  	[tilespmem:s23+$0xB0] =	vst v0;
	v0 =	vld [tilespmem:s24+$0x80]  }
0xbf: {  	v4 =	vld [tilespmem:s29+$0xC0]  }
0xc0: {  	v5 =	vld [tilespmem:s24+$0xFFFFFF80];
	v1 =	vmul.f32 $1.131370830e+01, v1  }
0xc1: {  	v6 =	vld [tilespmem:s24+$0x0];
	v2 =	vmul.f32 $1.131370830e+01, v2  }
0xc2: {  	v3 =	vmul.f32 $1.131370830e+01, v3;
	[tilespmem:s23+$0xFFFFFF30] =	vst v1;
	v1 =	vld [tilespmem:s24+$0xFFFFFF00]  }
0xc3: {  	[tilespmem:s23+$0xFFFFFFB0] =	vst v2;
	v2 =	vld [tilespmem:s29+$0xFFFFFF40];
	v0 =	vmul.f32 $1.131370830e+01, v0  }
0xc4: {  	s25 =	simm.s32 $0xDF00;
	[tilespmem:s23+$0x30] =	vst v3;
	v3 =	vld [tilespmem:s29+$0xFFFFFFC0];
	v4 =	vmul.f32 $1.131370830e+01, v4  }
0xc5: {  	v5 =	vmul.f32 $1.131370830e+01, v5;
	[tilespmem:s25+$0x80] =	vst v0;
	v0 =	vld [tilespmem:s29+$0x40]  }
0xc6: {  	v6 =	vmul.f32 $1.131370830e+01, v6;
	v7 =	vld [tilespmem:s24+$0x90];
	[tilespmem:s23+$0xC0] =	vst v4  }
0xc7: {  	[tilespmem:s25+$0xFFFFFF80] =	vst v5;
	v1 =	vmul.f32 $1.131370830e+01, v1;
	v4 =	vld [tilespmem:s29+$0xD0]  }
0xc8: {  	[tilespmem:s25+$0x0] =	vst v6;
	v5 =	vld [tilespmem:s24+$0xFFFFFF90];
	v2 =	vmul.f32 $1.131370830e+01, v2  }
0xc9: {  	v3 =	vmul.f32 $1.131370830e+01, v3;
	[tilespmem:s25+$0xFFFFFF00] =	vst v1;
	v1 =	vld [tilespmem:s24+$0x10]  }
0xca: {  	v6 =	vld [tilespmem:s24+$0xFFFFFF10];
	[tilespmem:s23+$0xFFFFFF40] =	vst v2;
	v0 =	vmul.f32 $1.131370830e+01, v0  }
0xcb: {  	[tilespmem:s23+$0xFFFFFFC0] =	vst v3;
	v2 =	vmul.f32 $1.131370830e+01, v7;
	v7 =	vld [tilespmem:s29+$0xFFFFFF50]  }
0xcc: {  	v3 =	vld [tilespmem:s29+$0xFFFFFFD0];
	[tilespmem:s23+$0x40] =	vst v0;
	v0 =	vmul.f32 $1.131370830e+01, v4  }
0xcd: {  	v4 =	vmul.f32 $1.131370830e+01, v5;
	[tilespmem:s25+$0x90] =	vst v2;
	v2 =	vld [tilespmem:s29+$0x50]  }
0xce: {  	v1 =	vmul.f32 $1.131370830e+01, v1;
	v5 =	vld [tilespmem:s24+$0xA0];
	[tilespmem:s23+$0xD0] =	vst v0  }
0xcf: {  	v0 =	vmul.f32 $1.131370830e+01, v6;
	[tilespmem:s25+$0xFFFFFF90] =	vst v4;
	v4 =	vld [tilespmem:s29+$0xE0]  }
0xd0: {  	[tilespmem:s25+$0x10] =	vst v1;
	v6 =	vld [tilespmem:s24+$0xFFFFFFA0];
	v1 =	vmul.f32 $1.131370830e+01, v7  }
0xd1: {  	v3 =	vmul.f32 $1.131370830e+01, v3;
	[tilespmem:s25+$0xFFFFFF10] =	vst v0;
	v0 =	vld [tilespmem:s24+$0x20]  }
0xd2: {  	v7 =	vld [tilespmem:s24+$0xFFFFFF20];
	[tilespmem:s23+$0xFFFFFF50] =	vst v1;
	v1 =	vmul.f32 $1.131370830e+01, v2  }
0xd3: {  	[tilespmem:s23+$0xFFFFFFD0] =	vst v3;
	v2 =	vmul.f32 $1.131370830e+01, v5;
	v5 =	vld [tilespmem:s29+$0xFFFFFF60]  }
0xd4: {  	v3 =	vld [tilespmem:s29+$0xFFFFFFE0];
	[tilespmem:s23+$0x50] =	vst v1;
	v1 =	vmul.f32 $1.131370830e+01, v4  }
0xd5: {  	v4 =	vmul.f32 $1.131370830e+01, v6;
	[tilespmem:s25+$0xA0] =	vst v2;
	v2 =	vld [tilespmem:s29+$0x60]  }
0xd6: {  	v0 =	vmul.f32 $1.131370830e+01, v0;
	v6 =	vld [tilespmem:s24+$0xB0];
	[tilespmem:s23+$0xE0] =	vst v1  }
0xd7: {  	v1 =	vmul.f32 $1.131370830e+01, v7;
	[tilespmem:s25+$0xFFFFFFA0] =	vst v4;
	v7 =	vld [tilespmem:s29+$0xF0]  }
0xd8: {  	v8 =	vld [tilespmem:s24+$0xFFFFFFB0];
	[tilespmem:s25+$0x20] =	vst v0;
	v0 =	vmul.f32 $1.131370830e+01, v5  }
0xd9: {  	v3 =	vmul.f32 $1.131370830e+01, v3;
	[tilespmem:s25+$0xFFFFFF20] =	vst v1;
	v4 =	vld [tilespmem:s24+$0x30]  }
0xda: {  	v5 =	vld [tilespmem:s24+$0xFFFFFF30];
	[tilespmem:s23+$0xFFFFFF60] =	vst v0;
	v2 =	vmul.f32 $1.131370830e+01, v2  }
0xdb: {  	[tilespmem:s23+$0xFFFFFFE0] =	vst v3;
	v9 =	vmul.f32 $1.131370830e+01, v6;
	v1 =	vld [tilespmem:s29+$0xFFFFFF70]  }
0xdc: {  	v0 =	vld [tilespmem:s29+$0xFFFFFFF0];
	[tilespmem:s23+$0x60] =	vst v2;
	v3 =	vmul.f32 $1.131370830e+01, v7  }
0xdd: {  	s26 =	simm.s32 $0x4;
	s28 =	simm.s32 $0x6100;
	v6 =	vmul.f32 $1.131370830e+01, v8;
	[tilespmem:s25+$0xB0] =	vst v9;
	v2 =	vld [tilespmem:s29+$0x70]  }
.LBB2_5:
0xde: {  	v7 =	vld [tilespmem:s28+$0x80];
	v4 =	vmul.f32 $1.131370830e+01, v4;
	[tilespmem:s23+$0xF0] =	vst v3  }
0xdf: {  	s26 =	sadd.s32 $0x4, s26;
	v3 =	vmul.f32 $1.131370830e+01, v5;
	[tilespmem:s25+$0xFFFFFFB0] =	vst v6;
	v5 =	vld [tilespmem:s24+$0xC0]  }
0xe0: {  	p1 =	slt.u32 s26, $0x7C;
	v6 =	vld [tilespmem:s28+$0xFFFFFF80];
	[tilespmem:s25+$0x30] =	vst v4;
	v1 =	vmul.f32 $1.131370830e+01, v1  }
0xe1: {  	v4 =	vld [tilespmem:s28+$0x0];
	[tilespmem:s25+$0xFFFFFF30] =	vst v3;
	v0 =	vmul.f32 $1.131370830e+01, v0  }
0xe2: {  	v3 =	vld [tilespmem:s28+$0xFFFFFF00];
	[tilespmem:s23+$0xFFFFFF70] =	vst v1;
	v1 =	vmul.f32 $1.131370830e+01, v2  }
0xe3: {  	v2 =	vmul.f32 $1.131370830e+01, v7;
	v7 =	vld [tilespmem:s24+$0xFFFFFF40];
	[tilespmem:s23+$0xFFFFFFF0] =	vst v0  }
0xe4: {  	v0 =	vld [tilespmem:s24+$0xFFFFFFC0];
	v5 =	vmul.f32 $1.131370830e+01, v5;
	[tilespmem:s23+$0x70] =	vst v1;
	s23 =	smov.u32 s25;
	s25 =	sadd.s32 $0x200, s25  }
0xe5: {  	v1 =	vmul.f32 $1.131370830e+01, v6;
	[tilespmem:s25+$0x80] =	vst v2;
	v2 =	vld [tilespmem:s24+$0x40]  }
0xe6: {  	v4 =	vmul.f32 $1.131370830e+01, v4;
	v6 =	vld [tilespmem:s28+$0x90];
	[tilespmem:s23+$0xC0] =	vst v5  }
0xe7: {  	v3 =	vmul.f32 $1.131370830e+01, v3;
	[tilespmem:s25+$0xFFFFFF80] =	vst v1;
	v1 =	vld [tilespmem:s24+$0xD0]  }
0xe8: {  	v5 =	vld [tilespmem:s28+$0xFFFFFF90];
	[tilespmem:s25+$0x0] =	vst v4;
	v4 =	vmul.f32 $1.131370830e+01, v7  }
0xe9: {  	[tilespmem:s25+$0xFFFFFF00] =	vst v3;
	v3 =	vld [tilespmem:s28+$0x10];
	v0 =	vmul.f32 $1.131370830e+01, v0  }
0xea: {  	v7 =	vld [tilespmem:s28+$0xFFFFFF10];
	[tilespmem:s23+$0xFFFFFF40] =	vst v4;
	v2 =	vmul.f32 $1.131370830e+01, v2  }
0xeb: {  	v4 =	vmul.f32 $1.131370830e+01, v6;
	v6 =	vld [tilespmem:s24+$0xFFFFFF50];
	[tilespmem:s23+$0xFFFFFFC0] =	vst v0  }
0xec: {  	v0 =	vld [tilespmem:s24+$0xFFFFFFD0];
	[tilespmem:s23+$0x40] =	vst v2;
	v1 =	vmul.f32 $1.131370830e+01, v1  }
0xed: {  	v2 =	vmul.f32 $1.131370830e+01, v5;
	[tilespmem:s25+$0x90] =	vst v4;
	v4 =	vld [tilespmem:s24+$0x50]  }
0xee: {  	v3 =	vmul.f32 $1.131370830e+01, v3;
	v5 =	vld [tilespmem:s28+$0xA0];
	[tilespmem:s23+$0xD0] =	vst v1  }
0xef: {  	v1 =	vmul.f32 $1.131370830e+01, v7;
	[tilespmem:s25+$0xFFFFFF90] =	vst v2;
	v2 =	vld [tilespmem:s24+$0xE0]  }
0xf0: {  	v7 =	vld [tilespmem:s28+$0xFFFFFFA0];
	[tilespmem:s25+$0x10] =	vst v3;
	v3 =	vmul.f32 $1.131370830e+01, v6  }
0xf1: {  	[tilespmem:s25+$0xFFFFFF10] =	vst v1;
	v1 =	vld [tilespmem:s28+$0x20];
	v0 =	vmul.f32 $1.131370830e+01, v0  }
0xf2: {  	v6 =	vld [tilespmem:s28+$0xFFFFFF20];
	[tilespmem:s23+$0xFFFFFF50] =	vst v3;
	v3 =	vmul.f32 $1.131370830e+01, v4  }
0xf3: {  	v4 =	vmul.f32 $1.131370830e+01, v5;
	v5 =	vld [tilespmem:s24+$0xFFFFFF60];
	[tilespmem:s23+$0xFFFFFFD0] =	vst v0  }
0xf4: {  	v0 =	vld [tilespmem:s24+$0xFFFFFFE0];
	[tilespmem:s23+$0x50] =	vst v3;
	v2 =	vmul.f32 $1.131370830e+01, v2  }
0xf5: {  	v3 =	vmul.f32 $1.131370830e+01, v7;
	[tilespmem:s25+$0xA0] =	vst v4;
	v7 =	vld [tilespmem:s24+$0x60]  }
0xf6: {  	v1 =	vmul.f32 $1.131370830e+01, v1;
	v8 =	vld [tilespmem:s28+$0xB0];
	[tilespmem:s23+$0xE0] =	vst v2  }
0xf7: {  	v2 =	vmul.f32 $1.131370830e+01, v6;
	[tilespmem:s25+$0xFFFFFFA0] =	vst v3;
	v3 =	vld [tilespmem:s24+$0xF0]  }
0xf8: {  	v6 =	vld [tilespmem:s28+$0xFFFFFFB0];
	[tilespmem:s25+$0x20] =	vst v1;
	v1 =	vmul.f32 $1.131370830e+01, v5  }
.Ltmp1:
0xf9: {  	[tilespmem:s25+$0xFFFFFF20] =	vst v2;
	v4 =	vld [tilespmem:s28+$0x30];
	v0 =	vmul.f32 $1.131370830e+01, v0;
	(pc) =	sbr.rel @p1 .LBB2_5-.Ltmp1, $4  }
0xfa: {  	v5 =	vld [tilespmem:s28+$0xFFFFFF30];
	[tilespmem:s23+$0xFFFFFF60] =	vst v1;
	v2 =	vmul.f32 $1.131370830e+01, v7  }
0xfb: {  	v7 =	vmul.f32 $1.131370830e+01, v8;
	v1 =	vld [tilespmem:s24+$0xFFFFFF70];
	[tilespmem:s23+$0xFFFFFFE0] =	vst v0  }
0xfc: {  	v0 =	vld [tilespmem:s24+$0xFFFFFFF0];
	[tilespmem:s23+$0x60] =	vst v2;
	v3 =	vmul.f32 $1.131370830e+01, v3  }
0xfd: {  	v6 =	vmul.f32 $1.131370830e+01, v6;
	[tilespmem:s25+$0xB0] =	vst v7;
	v2 =	vld [tilespmem:s24+$0x70];
	s24 =	smov.u32 s28;
	s28 =	sadd.s32 $0x200, s28  }
0xfe: {  	v4 =	vmul.f32 $1.131370830e+01, v4  }
0xff: {  	v7 =	vld [tilespmem:s24+$0xC0];
	v5 =	vmul.f32 $1.131370830e+01, v5;
	[tilespmem:s25+$0xFFFFFFB0] =	vst v6  }
0x100: {  	[tilespmem:s25+$0x30] =	vst v4;
	v51 =	vld [tilespmem:s24+$0xFFFFFFC0]  }
0x101: {  	[tilespmem:s25+$0xFFFFFF30] =	vst v5;
	v52 =	vld [tilespmem:s24+$0x40]  }
0x102: {  	v5 =	vld [tilespmem:s24+$0xFFFFFF40];
	_ =	sdelay $0x1  }
0x103: {  	v7 =	vmul.f32 $1.131370830e+01, v7  }
0x104: {  	v4 =	vmul.f32 $1.131370830e+01, v51  }
0x105: {  	[tilespmem:s25+$0xC0] =	vst v7;
	v53 =	vmul.f32 $1.131370830e+01, v52  }
0x106: {  	v7 =	vld [tilespmem:s24+$0xD0];
	v5 =	vmul.f32 $1.131370830e+01, v5;
	[tilespmem:s25+$0xFFFFFFC0] =	vst v4  }
0x107: {  	v4 =	vld [tilespmem:s24+$0xFFFFFFD0];
	[tilespmem:s25+$0x40] =	vst v53  }
0x108: {  	[tilespmem:s25+$0xFFFFFF40] =	vst v5;
	v5 =	vld [tilespmem:s24+$0x50]  }
0x109: {  	v54 =	vld [tilespmem:s24+$0xFFFFFF50];
	_ =	sdelay $0x1  }
0x10a: {  	v7 =	vmul.f32 $1.131370830e+01, v7  }
0x10b: {  	v4 =	vmul.f32 $1.131370830e+01, v4  }
0x10c: {  	[tilespmem:s25+$0xD0] =	vst v7;
	v5 =	vmul.f32 $1.131370830e+01, v5  }
0x10d: {  	v7 =	vld [tilespmem:s24+$0xE0];
	v6 =	vmul.f32 $1.131370830e+01, v54;
	[tilespmem:s25+$0xFFFFFFD0] =	vst v4  }
0x10e: {  	v4 =	vld [tilespmem:s24+$0xFFFFFFE0];
	[tilespmem:s25+$0x50] =	vst v5  }
0x10f: {  	[tilespmem:s25+$0xFFFFFF50] =	vst v6;
	v5 =	vld [tilespmem:s24+$0x60]  }
0x110: {  	v6 =	vld [tilespmem:s24+$0xFFFFFF60];
	_ =	sdelay $0x1  }
0x111: {  	v7 =	vmul.f32 $1.131370830e+01, v7  }
0x112: {  	v4 =	vmul.f32 $1.131370830e+01, v4  }
0x113: {  	[tilespmem:s25+$0xE0] =	vst v7;
	v5 =	vmul.f32 $1.131370830e+01, v5  }
0x114: {  	v55 =	vld [tilespmem:s24+$0xF0];
	v6 =	vmul.f32 $1.131370830e+01, v6;
	[tilespmem:s25+$0xFFFFFFE0] =	vst v4  }
0x115: {  	[tilespmem:s25+$0x60] =	vst v5;
	v57 =	vld [tilespmem:s24+$0xFFFFFFF0]  }
0x116: {  	v1 =	vmul.f32 $1.131370830e+01, v1;
	[tilespmem:s25+$0xFFFFFF60] =	vst v6;
	v58 =	vld [tilespmem:s24+$0x70]  }
0x117: {  	[tilespmem:s23+$0xF0] =	vst v3;
	v0 =	vmul.f32 $1.131370830e+01, v0;
	v56 =	vld [tilespmem:s24+$0xFFFFFF70]  }
0x118: {  	[tilespmem:s23+$0xFFFFFF70] =	vst v1;
	v59 =	vmul.f32 $1.131370830e+01, v2  }
0x119: {  	[tilespmem:s23+$0xFFFFFFF0] =	vst v0;
	v60 =	vmul.f32 $1.131370830e+01, v55  }
0x11a: {  	[tilespmem:s23+$0x70] =	vst v59;
	v62 =	vmul.f32 $1.131370830e+01, v57  }
0x11b: {  	[tilespmem:s25+$0xF0] =	vst v60;
	v63 =	vmul.f32 $1.131370830e+01, v58  }
0x11c: {  	v61 =	vmul.f32 $1.131370830e+01, v56;
	[tilespmem:s25+$0xFFFFFFF0] =	vst v62  }
0x11d: {  	s22 =	sadd.s32 @!p0 $0x180, s22;
	[tilespmem:s25+$0x70] =	vst v63  }
0x11e: {  	s20 =	sadd.s32 $0x1, s20;
	s23 =	simm.s32 @!p0 $0x80;
	s24 =	simm.s32 @!p0 $0x5C00;
	[tilespmem:s25+$0xFFFFFF70] =	vst v61  }
0x11f: {  	[tilespmem:s24], [sflag:$0x2] =	stream.indirect.gather @!p0 [hbm4b:s2+s23], $0x80, s22, s23, $0xb8;
	[tilespmem:$0x11C00] =	vst v63  }
0x120: {  	p0 =	sne.s32 s20, $0x19  }
.Ltmp2:
0x121: {  	s21 =	sadd.s32 s21, s7;
	(pc) =	sbr.rel @p0 .LBB2_2-.Ltmp2, $4  }
0x122: {  	s21 =	sshll.u32 s21, $0xB  }
0x123: {  	s21 =	sand.u32 $0x1FFFF800, s21  }
0x124: {  	s21 =	sadd.s32 s3, s21  }
0x125: {  	[hbm4b:s21+s4] =	stream.linear.scatter [tilespmem:s16], [sflag:$0x4], $0x4000, $0x38;
	[tilespmem:$0x11C00] =	vst v63  }
0x126: {  	s19 =	sadd.s32 $0x1, s19  }
0x127: {  	_ =	swait.ge [sflag:s17], $0x4000;
	p0 =	sne.s32 s19, s8  }
.Ltmp3:
0x128: {  	[sflag:s17] =	ssyncset.done $0x0;
	(pc) =	sbr.rel @p0 .LBB2_1-.Ltmp3, $4  }
0x129: {  	[sflag:s17] =	ssyncadd.s32 $0xFFFFC000  }
0x12a: {  	_ =	swait.ge [sflag:s18], $0x4000  }
0x12b: {  	[sflag:s18] =	ssyncset.done $0x0  }
0x12c: {  	[sflag:s18] =	ssyncadd.s32 $0xFFFFC000  }
0x12d: {  	_ =	sfence.sel $0x180000  }
0x12e: {  	[bflag:$0x0] =	sbarrier.arrive $0xFFFF  }
0x12f: {  	p0 =	sne.s32 s0, $0x0;
	_ =	strace $0x90000047  }
0x130: {  	s0 =	sadd.s32 @!p0 $0x100000, s1;
	[bflag:$0x2] =	sbarrier.arrive $0xFFFF  }
0x131: {  	[sflag:s0] =	ssyncadd.tile.s32 @!p0 $0x1;
	_ =	shalt  }
.Lfunc_end2:
_tile_overlayer_lowered:
.L_overlay_start_2:
0x132: {  	(tag) =	ssettag $0x2  }
0x133: {  	s0 =	rddreg [dreg:$0x0];
	s2 =	stileid.u32  }
0x134: {  	s1 =	rddreg [dreg:$0x1];
	p0 =	sne.s32 s2, $0x0  }
0x135: {  	s3 =	rddreg [dreg:$0x2];
	[bflag:$0x3] =	sbarrier.arrive $0xFFFF;
	s2 =	simm.s32 @!p0 $0x1C05  }
0x136: {  	[timem:s3], [sflag:s2] =	dma.local @!p0 [hbm:s0], s1  }
0x137: {  	s0 =	simm.s32 @!p0 $0x5  }
0x138: {  	_ =	swait.ge @!p0 [sflag:s0], s1  }
0x139: {  	s1 =	ssub.s32 @!p0 $0x0, s1;
	[sflag:s0] =	ssyncset.done @!p0 $0x0  }
0x13a: {  	[sflag:s0] =	ssyncadd.s32 @!p0 s1  }
0x13b: {  	[bflag:$0x3] =	sbarrier.arrive $0xFFFF  }
0x13c: {  	_ =	shalt  }

</sc_bundles>
